<compile_context>
chip_gen: v7x
topology: tpu7x:2x2x1
jax: 0.10.2.dev20260603
libtpu: 0.0.44.dev20260713+nightly
codegen_flags: <defaults>
</compile_context>

<pallas_src>
import functools

import numpy as np
import jax
import jax.numpy as jnp
from jax import lax
from jax.experimental import pallas as pl
from jax.experimental.pallas import tpu as pltpu
from jax.experimental.pallas import tpu_sc as plsc

_B, _L, _V = 4096, 20, 64
_P = 0.1
_DEL_SENTINEL = 127


def _np_rotl(x, r):
    return ((x << np.uint32(r)) | (x >> np.uint32(32 - r))).astype(np.uint32)


def _np_threefry2x32(k0, k1, x0, x1):
    rots = [13, 15, 26, 6, 17, 29, 16, 24]
    ks = [np.uint32(k0), np.uint32(k1),
          np.uint32(k0) ^ np.uint32(k1) ^ np.uint32(0x1BD11BDA)]
    x0 = (x0 + ks[0]).astype(np.uint32)
    x1 = (x1 + ks[1]).astype(np.uint32)
    for i in range(5):
        for r in (rots[0:4] if i % 2 == 0 else rots[4:8]):
            x0 = (x0 + x1).astype(np.uint32)
            x1 = _np_rotl(x1, r)
            x1 = x1 ^ x0
        x0 = (x0 + ks[(i + 1) % 3]).astype(np.uint32)
        x1 = (x1 + ks[(i + 2) % 3] + np.uint32(i + 1)).astype(np.uint32)
    return x0, x1


def _np_uniform(seed, shape):
    size = int(np.prod(shape))
    k0, k1 = np.uint32(seed >> 32), np.uint32(seed & 0xFFFFFFFF)
    idx = np.arange(size, dtype=np.uint64)
    x0 = (idx >> np.uint64(32)).astype(np.uint32)
    x1 = (idx & np.uint64(0xFFFFFFFF)).astype(np.uint32)
    y0, y1 = _np_threefry2x32(k0, k1, x0, x1)
    bits = y0 ^ y1
    f = ((bits >> np.uint32(9)) | np.uint32(0x3F800000)).view(np.float32)
    return np.maximum(np.float32(0.0), f - np.float32(1.0)).reshape(shape)


def _build_src():
    mask = _np_uniform(42, (_B, _L)) < np.float32(_P)
    src = np.full((_L, _B), _DEL_SENTINEL, np.int32)
    smax = 0
    for b in range(_B):
        kp = np.flatnonzero(~mask[b])
        src[: kp.size, b] = kp
        if kp.size:
            smax = max(smax, int((kp - np.arange(kp.size)).max()))
    return src, smax


_SRC, _S = _build_src()


_NC, _NS = 2, 16
_NW = _NC * _NS
_FLAT = _B * _L * _V
_FPW = _FLAT // _NW


_NSLAB = _L * 8
_SPW_C = _NSLAB // _NW


def _sc_copy_body(m_hbm, p_hbm, cm_hbm, cp_hbm, sem0, sem1):
    wid = lax.axis_index("s") * _NC + lax.axis_index("c")
    for i in range(_SPW_C):
        s = wid * _SPW_C + i
        l = s // 8
        v0 = (s % 8) * 8
        src = (l, pl.ds(v0, 8))
        c0 = pltpu.async_copy(m_hbm.at[src], cm_hbm.at[src], sem0)
        c1 = pltpu.async_copy(p_hbm.at[src], cp_hbm.at[src], sem1)
        c0.wait()
        c1.wait()


@functools.cache
def _sc_copy():
    shp = jax.ShapeDtypeStruct((_L, _V, _B), jnp.float32)
    return pl.kernel(
        _sc_copy_body,
        out_type=(shp, shp),
        mesh=plsc.VectorSubcoreMesh(core_axis_name="c", subcore_axis_name="s",
                                    num_cores=_NC, num_subcores=_NS),
        scratch_types=[
            pltpu.SemaphoreType.DMA,
            pltpu.SemaphoreType.DMA,
        ],
        compiler_params=pltpu.CompilerParams(needs_layout_passes=False,
                                             use_tc_tiling_on_sc=True),
    )


def _tc_body(src_ref, m_ref, p_ref, nm_ref, np_ref):
    x = m_ref[...]
    p = p_ref[...]
    sv = src_ref[...]
    shift = sv - lax.broadcasted_iota(jnp.int32, sv.shape, 0)
    zpad = jnp.zeros((_S, _V) + x.shape[2:], jnp.float32)
    xp = jnp.concatenate([x, zpad], axis=0)
    acc = jnp.zeros_like(x)
    for s in range(_S + 1):
        w = (shift == s).astype(jnp.float32)[:, None, :]
        acc = acc + w * lax.slice_in_dim(xp, s, s + _L, axis=0)
    viota = lax.broadcasted_iota(jnp.int32, x.shape, 1)
    delw = (sv == _DEL_SENTINEL).astype(jnp.float32)[:, None, :]
    nm_ref[...] = acc + delw * (viota == 0).astype(jnp.float32)

    tot = jnp.sum(p, axis=1, keepdims=True)
    head = 1.0 - jnp.float32(1.0 - _P) * (tot - p[:, 0:1, :])
    np_ref[...] = jnp.where(viota == 0, head, jnp.float32(1.0 - _P) * p)


_BB = 256


@functools.cache
def _tc_call():
    grid = (_B // _BB,)
    blk = pl.BlockSpec((_L, _V, _BB), lambda i: (0, 0, i))
    sblk = pl.BlockSpec((_L, _BB), lambda i: (0, i))
    out = jax.ShapeDtypeStruct((_L, _V, _B), jnp.float32)
    return pl.pallas_call(
        _tc_body,
        grid=grid,
        in_specs=[sblk, blk, blk],
        out_specs=[blk, blk],
        out_shape=[out, out],
    )


def kernel(messages, probs):
    m_t = jnp.transpose(messages, (1, 2, 0))
    p_t = jnp.transpose(probs, (1, 2, 0))
    nm, npr = _tc_call()(jnp.asarray(_SRC), m_t, p_t)
    cm, cp = _sc_copy()(m_t, p_t)
    back = lambda a: jnp.transpose(a, (2, 0, 1))
    return back(nm), back(npr), back(cm), back(cp)

# --- scband reference (transcript-rebuilt; emitter-appended) ---
"""Pipeline reference for scband-deletion-channel-22445499089174 (READ-ONLY COPY).

The authoritative reference and input builder live on the scoring server;
editing this copy changes nothing except your own understanding.
"""

import jax, jax.numpy as jnp
import numpy as np

P = 0.1
B, L, V = 4096, 20, 64


def setup_inputs(seed: int = 0) -> dict:
    key = jax.random.key(seed)
    k1, k2 = jax.random.split(key)
    messages = jax.random.uniform(k1, (B, L, V), dtype=jnp.float32)
    probs = jax.random.uniform(k2, (B, L, V), dtype=jnp.float32)
    return {"messages": messages, "probs": probs}


def _shift(tensor, target_mask):
    # Shifts symbols to be deleted to the end of the message.
    # Faithful translation of the torch loop:
    #   for i in 1..L-1: idx = -i-1; tensor[targets, idx:] = roll(tensor[targets, idx:], -1, dim=1)
    Lm = tensor.shape[1]
    for i in range(1, Lm):
        idx = Lm - 1 - i  # same as -i-1
        targets = target_mask[:, idx]  # bool [B]
        tail = tensor[:, idx:]
        rolled = jnp.roll(tail, shift=-1, axis=1)
        new_tail = jnp.where(targets[:, None, None], rolled, tail)
        tensor = tensor.at[:, idx:].set(new_tail)
    return tensor


def _process(messages, probs, apply_noise, target_mask, p):
    # DeletionChannel.gs, training branch
    if not apply_noise:
        return messages, probs
    messages = _shift(messages, target_mask)
    n_deleted = target_mask.astype(jnp.int32).sum(axis=1, keepdims=True)  # [B,1]
    Lm = messages.shape[1]
    end_mask = jnp.arange(Lm - 1, -1, -1)[None, :] < n_deleted  # last n_deleted positions True
    onehot0 = jnp.zeros((messages.shape[-1],), messages.dtype).at[0].set(1.0)
    messages = jnp.where(end_mask[..., None], onehot0, messages)
    new_tail = probs[..., 1:] * (1.0 - p)
    new_head = 1.0 - new_tail.sum(axis=-1)
    probs = jnp.concatenate([new_head[..., None], new_tail], axis=-1)
    return messages, probs


def reference(messages, probs):
    p = jnp.float32(P)
    # self.sample_targets(size[:-1]) with seeded generator
    tkey = jax.random.key(42)
    target_mask = jax.random.uniform(tkey, messages.shape[:-1]) < p
    noisy_m, noisy_p = _process(messages, probs, True, target_mask, p)
    clean_m, clean_p = _process(messages, probs, False, target_mask, p)
    return (noisy_m, noisy_p, clean_m, clean_p)

if __name__ == "__main__":
    import jax
    _d = setup_inputs()
    print(jax.jit(kernel)(*tuple(_d.values())))

</pallas_src>

<mosaic_0001>
#map = affine_map<(d0, d1) -> (0, 0, 0)>
module attributes {stable_mosaic.version = 14 : i64} {
  func.func @_sc_copy_body(%arg0: i32, %arg1: i32, %arg2: memref<20x64x4096xf32, #tpu.memory_space<hbm>>, %arg3: memref<20x64x4096xf32, #tpu.memory_space<hbm>>, %arg4: memref<20x64x4096xf32, #tpu.memory_space<hbm>>, %arg5: memref<20x64x4096xf32, #tpu.memory_space<hbm>>, %arg6: memref<!tpu.dma_semaphore, #tpu.memory_space<semaphore_mem>>, %arg7: memref<!tpu.dma_semaphore, #tpu.memory_space<semaphore_mem>>) attributes {dimension_semantics = [#tpu.dimension_semantics<core_parallel>, #tpu.dimension_semantics<subcore_parallel>], iteration_bounds = array<i64: 2, 16>, scalar_prefetch = 0 : i64, scratch_operands = 2 : i64, tpu.core_type = #tpu.core_type<sc_vector_subcore>, window_params = [{transform_indices = #map}, {transform_indices = #map}, {transform_indices = #map}, {transform_indices = #map}]} {
    %mul3A = arith.constant 2 : i32
    %mul3A_0 = arith.muli %arg1, %mul3A : i32
    %add3A = arith.addi %mul3A_0, %arg0 : i32
    %mul3A_1 = arith.constant 5 : i32
    %mul3A_2 = arith.muli %add3A, %mul3A_1 : i32
    %add3A_3 = arith.constant 0 : i32
    %add3A_4 = arith.addi %mul3A_2, %add3A_3 : i32
    %jit3A = arith.constant 8 : i32
    %div3A = arith.divsi %add3A_4, %jit3A : i32
    %sign3A = arith.constant 0 : i32
    %sign3A_5 = arith.cmpi sgt, %add3A_4, %sign3A : i32
    %sign3A_6 = arith.extui %sign3A_5 : i1 to i32
    %sign3A_7 = arith.constant 0 : i32
    %sign3A_8 = arith.cmpi slt, %add3A_4, %sign3A_7 : i32
    %sign3A_9 = arith.extui %sign3A_8 : i1 to i32
    %sign3A_10 = arith.subi %sign3A_6, %sign3A_9 : i32
    %sign3A_11 = arith.constant 0 : i32
    %sign3A_12 = arith.cmpi sgt, %jit3A, %sign3A_11 : i32
    %sign3A_13 = arith.extui %sign3A_12 : i1 to i32
    %sign3A_14 = arith.constant 0 : i32
    %sign3A_15 = arith.cmpi slt, %jit3A, %sign3A_14 : i32
    %sign3A_16 = arith.extui %sign3A_15 : i1 to i32
    %sign3A_17 = arith.subi %sign3A_13, %sign3A_16 : i32
    %ne3A = arith.cmpi ne, %sign3A_10, %sign3A_17 : i32
    %rem3A = arith.remsi %add3A_4, %jit3A : i32
    %ne3A_18 = arith.constant 0 : i32
    %ne3A_19 = arith.cmpi ne, %rem3A, %ne3A_18 : i32
    %and3A = arith.andi %ne3A, %ne3A_19 : i1
    %sub3A = arith.constant 1 : i32
    %sub3A_20 = arith.subi %div3A, %sub3A : i32
    %select_n3A = arith.select %and3A, %sub3A_20, %div3A : i32
    %jit3A_21 = arith.constant 8 : i32
    %eq3A = arith.constant 0 : i32
    %eq3A_22 = arith.cmpi eq, %jit3A_21, %eq3A : i32
    %jit3A_23 = arith.constant 1 : i32
    %select_n3A_24 = arith.select %eq3A_22, %jit3A_23, %jit3A_21 : i32
    %rem3A_25 = arith.remsi %add3A_4, %select_n3A_24 : i32
    %ne3A_26 = arith.constant 0 : i32
    %ne3A_27 = arith.cmpi ne, %rem3A_25, %ne3A_26 : i32
    %lt3A = arith.constant 0 : i32
    %lt3A_28 = arith.cmpi slt, %rem3A_25, %lt3A : i32
    %lt3A_29 = arith.constant 0 : i32
    %lt3A_30 = arith.cmpi slt, %select_n3A_24, %lt3A_29 : i32
    %ne3A_31 = arith.xori %lt3A_28, %lt3A_30 : i1
    %and3A_32 = arith.andi %ne3A_31, %ne3A_27 : i1
    %add3A_33 = arith.addi %rem3A_25, %select_n3A_24 : i32
    %select_n3A_34 = arith.select %and3A_32, %add3A_33, %rem3A_25 : i32
    %mul3A_35 = arith.constant 8 : i32
    %mul3A_36 = arith.muli %select_n3A_34, %mul3A_35 : i32
    %dma_start3A = arith.constant 0 : i32
    %dma_start3A_37 = tpu.memref_slice %arg4[%select_n3A, %mul3A_36, %dma_start3A] : memref<20x64x4096xf32, #tpu.memory_space<hbm>> -> memref<1x8x4096xf32, #tpu.memory_space<hbm>>
    %dma_start3A_38 = tpu.memref_squeeze %dma_start3A_37 : memref<1x8x4096xf32, #tpu.memory_space<hbm>> -> memref<8x4096xf32, #tpu.memory_space<hbm>>
    %dma_start3A_39 = arith.constant 0 : i32
    %dma_start3A_40 = tpu.memref_slice %arg2[%select_n3A, %mul3A_36, %dma_start3A_39] : memref<20x64x4096xf32, #tpu.memory_space<hbm>> -> memref<1x8x4096xf32, #tpu.memory_space<hbm>>
    %dma_start3A_41 = tpu.memref_squeeze %dma_start3A_40 : memref<1x8x4096xf32, #tpu.memory_space<hbm>> -> memref<8x4096xf32, #tpu.memory_space<hbm>>
    tpu.enqueue_dma source(%dma_start3A_41 : memref<8x4096xf32, #tpu.memory_space<hbm>>) target(%dma_start3A_38 : memref<8x4096xf32, #tpu.memory_space<hbm>>) target_semaphore(%arg6 : memref<!tpu.dma_semaphore, #tpu.memory_space<semaphore_mem>>)
    %dma_start3A_42 = arith.constant 0 : i32
    %dma_start3A_43 = tpu.memref_slice %arg5[%select_n3A, %mul3A_36, %dma_start3A_42] : memref<20x64x4096xf32, #tpu.memory_space<hbm>> -> memref<1x8x4096xf32, #tpu.memory_space<hbm>>
    %dma_start3A_44 = tpu.memref_squeeze %dma_start3A_43 : memref<1x8x4096xf32, #tpu.memory_space<hbm>> -> memref<8x4096xf32, #tpu.memory_space<hbm>>
    %dma_start3A_45 = arith.constant 0 : i32
    %dma_start3A_46 = tpu.memref_slice %arg3[%select_n3A, %mul3A_36, %dma_start3A_45] : memref<20x64x4096xf32, #tpu.memory_space<hbm>> -> memref<1x8x4096xf32, #tpu.memory_space<hbm>>
    %dma_start3A_47 = tpu.memref_squeeze %dma_start3A_46 : memref<1x8x4096xf32, #tpu.memory_space<hbm>> -> memref<8x4096xf32, #tpu.memory_space<hbm>>
    tpu.enqueue_dma source(%dma_start3A_47 : memref<8x4096xf32, #tpu.memory_space<hbm>>) target(%dma_start3A_44 : memref<8x4096xf32, #tpu.memory_space<hbm>>) target_semaphore(%arg7 : memref<!tpu.dma_semaphore, #tpu.memory_space<semaphore_mem>>)
    %dma_wait3A = arith.constant 0 : i32
    %dma_wait3A_48 = tpu.memref_slice %arg4[%select_n3A, %mul3A_36, %dma_wait3A] : memref<20x64x4096xf32, #tpu.memory_space<hbm>> -> memref<1x8x4096xf32, #tpu.memory_space<hbm>>
    %dma_wait3A_49 = tpu.memref_squeeze %dma_wait3A_48 : memref<1x8x4096xf32, #tpu.memory_space<hbm>> -> memref<8x4096xf32, #tpu.memory_space<hbm>>
    %dma_wait3A_50 = arith.constant 0 : i32
    %dma_wait3A_51 = tpu.memref_slice %arg2[%select_n3A, %mul3A_36, %dma_wait3A_50] : memref<20x64x4096xf32, #tpu.memory_space<hbm>> -> memref<1x8x4096xf32, #tpu.memory_space<hbm>>
    %dma_wait3A_52 = tpu.memref_squeeze %dma_wait3A_51 : memref<1x8x4096xf32, #tpu.memory_space<hbm>> -> memref<8x4096xf32, #tpu.memory_space<hbm>>
    tpu.wait_dma2 semaphore(%arg6 : memref<!tpu.dma_semaphore, #tpu.memory_space<semaphore_mem>>) src(%dma_wait3A_52 : memref<8x4096xf32, #tpu.memory_space<hbm>>) dst(%dma_wait3A_49 : memref<8x4096xf32, #tpu.memory_space<hbm>>)
    %dma_wait3A_53 = arith.constant 0 : i32
    %dma_wait3A_54 = tpu.memref_slice %arg5[%select_n3A, %mul3A_36, %dma_wait3A_53] : memref<20x64x4096xf32, #tpu.memory_space<hbm>> -> memref<1x8x4096xf32, #tpu.memory_space<hbm>>
    %dma_wait3A_55 = tpu.memref_squeeze %dma_wait3A_54 : memref<1x8x4096xf32, #tpu.memory_space<hbm>> -> memref<8x4096xf32, #tpu.memory_space<hbm>>
    %dma_wait3A_56 = arith.constant 0 : i32
    %dma_wait3A_57 = tpu.memref_slice %arg3[%select_n3A, %mul3A_36, %dma_wait3A_56] : memref<20x64x4096xf32, #tpu.memory_space<hbm>> -> memref<1x8x4096xf32, #tpu.memory_space<hbm>>
    %dma_wait3A_58 = tpu.memref_squeeze %dma_wait3A_57 : memref<1x8x4096xf32, #tpu.memory_space<hbm>> -> memref<8x4096xf32, #tpu.memory_space<hbm>>
    tpu.wait_dma2 semaphore(%arg7 : memref<!tpu.dma_semaphore, #tpu.memory_space<semaphore_mem>>) src(%dma_wait3A_58 : memref<8x4096xf32, #tpu.memory_space<hbm>>) dst(%dma_wait3A_55 : memref<8x4096xf32, #tpu.memory_space<hbm>>)
    %mul3A_59 = arith.constant 5 : i32
    %mul3A_60 = arith.muli %add3A, %mul3A_59 : i32
    %add3A_61 = arith.constant 1 : i32
    %add3A_62 = arith.addi %mul3A_60, %add3A_61 : i32
    %jit3A_63 = arith.constant 8 : i32
    %div3A_64 = arith.divsi %add3A_62, %jit3A_63 : i32
    %sign3A_65 = arith.constant 0 : i32
    %sign3A_66 = arith.cmpi sgt, %add3A_62, %sign3A_65 : i32
    %sign3A_67 = arith.extui %sign3A_66 : i1 to i32
    %sign3A_68 = arith.constant 0 : i32
    %sign3A_69 = arith.cmpi slt, %add3A_62, %sign3A_68 : i32
    %sign3A_70 = arith.extui %sign3A_69 : i1 to i32
    %sign3A_71 = arith.subi %sign3A_67, %sign3A_70 : i32
    %sign3A_72 = arith.constant 0 : i32
    %sign3A_73 = arith.cmpi sgt, %jit3A_63, %sign3A_72 : i32
    %sign3A_74 = arith.extui %sign3A_73 : i1 to i32
    %sign3A_75 = arith.constant 0 : i32
    %sign3A_76 = arith.cmpi slt, %jit3A_63, %sign3A_75 : i32
    %sign3A_77 = arith.extui %sign3A_76 : i1 to i32
    %sign3A_78 = arith.subi %sign3A_74, %sign3A_77 : i32
    %ne3A_79 = arith.cmpi ne, %sign3A_71, %sign3A_78 : i32
    %rem3A_80 = arith.remsi %add3A_62, %jit3A_63 : i32
    %ne3A_81 = arith.constant 0 : i32
    %ne3A_82 = arith.cmpi ne, %rem3A_80, %ne3A_81 : i32
    %and3A_83 = arith.andi %ne3A_79, %ne3A_82 : i1
    %sub3A_84 = arith.constant 1 : i32
    %sub3A_85 = arith.subi %div3A_64, %sub3A_84 : i32
    %select_n3A_86 = arith.select %and3A_83, %sub3A_85, %div3A_64 : i32
    %jit3A_87 = arith.constant 8 : i32
    %eq3A_88 = arith.constant 0 : i32
    %eq3A_89 = arith.cmpi eq, %jit3A_87, %eq3A_88 : i32
    %jit3A_90 = arith.constant 1 : i32
    %select_n3A_91 = arith.select %eq3A_89, %jit3A_90, %jit3A_87 : i32
    %rem3A_92 = arith.remsi %add3A_62, %select_n3A_91 : i32
    %ne3A_93 = arith.constant 0 : i32
    %ne3A_94 = arith.cmpi ne, %rem3A_92, %ne3A_93 : i32
    %lt3A_95 = arith.constant 0 : i32
    %lt3A_96 = arith.cmpi slt, %rem3A_92, %lt3A_95 : i32
    %lt3A_97 = arith.constant 0 : i32
    %lt3A_98 = arith.cmpi slt, %select_n3A_91, %lt3A_97 : i32
    %ne3A_99 = arith.xori %lt3A_96, %lt3A_98 : i1
    %and3A_100 = arith.andi %ne3A_99, %ne3A_94 : i1
    %add3A_101 = arith.addi %rem3A_92, %select_n3A_91 : i32
    %select_n3A_102 = arith.select %and3A_100, %add3A_101, %rem3A_92 : i32
    %mul3A_103 = arith.constant 8 : i32
    %mul3A_104 = arith.muli %select_n3A_102, %mul3A_103 : i32
    %dma_start3A_105 = arith.constant 0 : i32
    %dma_start3A_106 = tpu.memref_slice %arg4[%select_n3A_86, %mul3A_104, %dma_start3A_105] : memref<20x64x4096xf32, #tpu.memory_space<hbm>> -> memref<1x8x4096xf32, #tpu.memory_space<hbm>>
    %dma_start3A_107 = tpu.memref_squeeze %dma_start3A_106 : memref<1x8x4096xf32, #tpu.memory_space<hbm>> -> memref<8x4096xf32, #tpu.memory_space<hbm>>
    %dma_start3A_108 = arith.constant 0 : i32
    %dma_start3A_109 = tpu.memref_slice %arg2[%select_n3A_86, %mul3A_104, %dma_start3A_108] : memref<20x64x4096xf32, #tpu.memory_space<hbm>> -> memref<1x8x4096xf32, #tpu.memory_space<hbm>>
    %dma_start3A_110 = tpu.memref_squeeze %dma_start3A_109 : memref<1x8x4096xf32, #tpu.memory_space<hbm>> -> memref<8x4096xf32, #tpu.memory_space<hbm>>
    tpu.enqueue_dma source(%dma_start3A_110 : memref<8x4096xf32, #tpu.memory_space<hbm>>) target(%dma_start3A_107 : memref<8x4096xf32, #tpu.memory_space<hbm>>) target_semaphore(%arg6 : memref<!tpu.dma_semaphore, #tpu.memory_space<semaphore_mem>>)
    %dma_start3A_111 = arith.constant 0 : i32
    %dma_start3A_112 = tpu.memref_slice %arg5[%select_n3A_86, %mul3A_104, %dma_start3A_111] : memref<20x64x4096xf32, #tpu.memory_space<hbm>> -> memref<1x8x4096xf32, #tpu.memory_space<hbm>>
    %dma_start3A_113 = tpu.memref_squeeze %dma_start3A_112 : memref<1x8x4096xf32, #tpu.memory_space<hbm>> -> memref<8x4096xf32, #tpu.memory_space<hbm>>
    %dma_start3A_114 = arith.constant 0 : i32
    %dma_start3A_115 = tpu.memref_slice %arg3[%select_n3A_86, %mul3A_104, %dma_start3A_114] : memref<20x64x4096xf32, #tpu.memory_space<hbm>> -> memref<1x8x4096xf32, #tpu.memory_space<hbm>>
    %dma_start3A_116 = tpu.memref_squeeze %dma_start3A_115 : memref<1x8x4096xf32, #tpu.memory_space<hbm>> -> memref<8x4096xf32, #tpu.memory_space<hbm>>
    tpu.enqueue_dma source(%dma_start3A_116 : memref<8x4096xf32, #tpu.memory_space<hbm>>) target(%dma_start3A_113 : memref<8x4096xf32, #tpu.memory_space<hbm>>) target_semaphore(%arg7 : memref<!tpu.dma_semaphore, #tpu.memory_space<semaphore_mem>>)
    %dma_wait3A_117 = arith.constant 0 : i32
    %dma_wait3A_118 = tpu.memref_slice %arg4[%select_n3A_86, %mul3A_104, %dma_wait3A_117] : memref<20x64x4096xf32, #tpu.memory_space<hbm>> -> memref<1x8x4096xf32, #tpu.memory_space<hbm>>
    %dma_wait3A_119 = tpu.memref_squeeze %dma_wait3A_118 : memref<1x8x4096xf32, #tpu.memory_space<hbm>> -> memref<8x4096xf32, #tpu.memory_space<hbm>>
    %dma_wait3A_120 = arith.constant 0 : i32
    %dma_wait3A_121 = tpu.memref_slice %arg2[%select_n3A_86, %mul3A_104, %dma_wait3A_120] : memref<20x64x4096xf32, #tpu.memory_space<hbm>> -> memref<1x8x4096xf32, #tpu.memory_space<hbm>>
    %dma_wait3A_122 = tpu.memref_squeeze %dma_wait3A_121 : memref<1x8x4096xf32, #tpu.memory_space<hbm>> -> memref<8x4096xf32, #tpu.memory_space<hbm>>
    tpu.wait_dma2 semaphore(%arg6 : memref<!tpu.dma_semaphore, #tpu.memory_space<semaphore_mem>>) src(%dma_wait3A_122 : memref<8x4096xf32, #tpu.memory_space<hbm>>) dst(%dma_wait3A_119 : memref<8x4096xf32, #tpu.memory_space<hbm>>)
    %dma_wait3A_123 = arith.constant 0 : i32
    %dma_wait3A_124 = tpu.memref_slice %arg5[%select_n3A_86, %mul3A_104, %dma_wait3A_123] : memref<20x64x4096xf32, #tpu.memory_space<hbm>> -> memref<1x8x4096xf32, #tpu.memory_space<hbm>>
    %dma_wait3A_125 = tpu.memref_squeeze %dma_wait3A_124 : memref<1x8x4096xf32, #tpu.memory_space<hbm>> -> memref<8x4096xf32, #tpu.memory_space<hbm>>
    %dma_wait3A_126 = arith.constant 0 : i32
    %dma_wait3A_127 = tpu.memref_slice %arg3[%select_n3A_86, %mul3A_104, %dma_wait3A_126] : memref<20x64x4096xf32, #tpu.memory_space<hbm>> -> memref<1x8x4096xf32, #tpu.memory_space<hbm>>
    %dma_wait3A_128 = tpu.memref_squeeze %dma_wait3A_127 : memref<1x8x4096xf32, #tpu.memory_space<hbm>> -> memref<8x4096xf32, #tpu.memory_space<hbm>>
    tpu.wait_dma2 semaphore(%arg7 : memref<!tpu.dma_semaphore, #tpu.memory_space<semaphore_mem>>) src(%dma_wait3A_128 : memref<8x4096xf32, #tpu.memory_space<hbm>>) dst(%dma_wait3A_125 : memref<8x4096xf32, #tpu.memory_space<hbm>>)
    %mul3A_129 = arith.constant 5 : i32
    %mul3A_130 = arith.muli %add3A, %mul3A_129 : i32
    %add3A_131 = arith.constant 2 : i32
    %add3A_132 = arith.addi %mul3A_130, %add3A_131 : i32
    %jit3A_133 = arith.constant 8 : i32
    %div3A_134 = arith.divsi %add3A_132, %jit3A_133 : i32
    %sign3A_135 = arith.constant 0 : i32
    %sign3A_136 = arith.cmpi sgt, %add3A_132, %sign3A_135 : i32
    %sign3A_137 = arith.extui %sign3A_136 : i1 to i32
    %sign3A_138 = arith.constant 0 : i32
    %sign3A_139 = arith.cmpi slt, %add3A_132, %sign3A_138 : i32
    %sign3A_140 = arith.extui %sign3A_139 : i1 to i32
    %sign3A_141 = arith.subi %sign3A_137, %sign3A_140 : i32
    %sign3A_142 = arith.constant 0 : i32
    %sign3A_143 = arith.cmpi sgt, %jit3A_133, %sign3A_142 : i32
    %sign3A_144 = arith.extui %sign3A_143 : i1 to i32
    %sign3A_145 = arith.constant 0 : i32
    %sign3A_146 = arith.cmpi slt, %jit3A_133, %sign3A_145 : i32
    %sign3A_147 = arith.extui %sign3A_146 : i1 to i32
    %sign3A_148 = arith.subi %sign3A_144, %sign3A_147 : i32
    %ne3A_149 = arith.cmpi ne, %sign3A_141, %sign3A_148 : i32
    %rem3A_150 = arith.remsi %add3A_132, %jit3A_133 : i32
    %ne3A_151 = arith.constant 0 : i32
    %ne3A_152 = arith.cmpi ne, %rem3A_150, %ne3A_151 : i32
    %and3A_153 = arith.andi %ne3A_149, %ne3A_152 : i1
    %sub3A_154 = arith.constant 1 : i32
    %sub3A_155 = arith.subi %div3A_134, %sub3A_154 : i32
    %select_n3A_156 = arith.select %and3A_153, %sub3A_155, %div3A_134 : i32
    %jit3A_157 = arith.constant 8 : i32
    %eq3A_158 = arith.constant 0 : i32
    %eq3A_159 = arith.cmpi eq, %jit3A_157, %eq3A_158 : i32
    %jit3A_160 = arith.constant 1 : i32
    %select_n3A_161 = arith.select %eq3A_159, %jit3A_160, %jit3A_157 : i32
    %rem3A_162 = arith.remsi %add3A_132, %select_n3A_161 : i32
    %ne3A_163 = arith.constant 0 : i32
    %ne3A_164 = arith.cmpi ne, %rem3A_162, %ne3A_163 : i32
    %lt3A_165 = arith.constant 0 : i32
    %lt3A_166 = arith.cmpi slt, %rem3A_162, %lt3A_165 : i32
    %lt3A_167 = arith.constant 0 : i32
    %lt3A_168 = arith.cmpi slt, %select_n3A_161, %lt3A_167 : i32
    %ne3A_169 = arith.xori %lt3A_166, %lt3A_168 : i1
    %and3A_170 = arith.andi %ne3A_169, %ne3A_164 : i1
    %add3A_171 = arith.addi %rem3A_162, %select_n3A_161 : i32
    %select_n3A_172 = arith.select %and3A_170, %add3A_171, %rem3A_162 : i32
    %mul3A_173 = arith.constant 8 : i32
    %mul3A_174 = arith.muli %select_n3A_172, %mul3A_173 : i32
    %dma_start3A_175 = arith.constant 0 : i32
    %dma_start3A_176 = tpu.memref_slice %arg4[%select_n3A_156, %mul3A_174, %dma_start3A_175] : memref<20x64x4096xf32, #tpu.memory_space<hbm>> -> memref<1x8x4096xf32, #tpu.memory_space<hbm>>
    %dma_start3A_177 = tpu.memref_squeeze %dma_start3A_176 : memref<1x8x4096xf32, #tpu.memory_space<hbm>> -> memref<8x4096xf32, #tpu.memory_space<hbm>>
    %dma_start3A_178 = arith.constant 0 : i32
    %dma_start3A_179 = tpu.memref_slice %arg2[%select_n3A_156, %mul3A_174, %dma_start3A_178] : memref<20x64x4096xf32, #tpu.memory_space<hbm>> -> memref<1x8x4096xf32, #tpu.memory_space<hbm>>
    %dma_start3A_180 = tpu.memref_squeeze %dma_start3A_179 : memref<1x8x4096xf32, #tpu.memory_space<hbm>> -> memref<8x4096xf32, #tpu.memory_space<hbm>>
    tpu.enqueue_dma source(%dma_start3A_180 : memref<8x4096xf32, #tpu.memory_space<hbm>>) target(%dma_start3A_177 : memref<8x4096xf32, #tpu.memory_space<hbm>>) target_semaphore(%arg6 : memref<!tpu.dma_semaphore, #tpu.memory_space<semaphore_mem>>)
    %dma_start3A_181 = arith.constant 0 : i32
    %dma_start3A_182 = tpu.memref_slice %arg5[%select_n3A_156, %mul3A_174, %dma_start3A_181] : memref<20x64x4096xf32, #tpu.memory_space<hbm>> -> memref<1x8x4096xf32, #tpu.memory_space<hbm>>
    %dma_start3A_183 = tpu.memref_squeeze %dma_start3A_182 : memref<1x8x4096xf32, #tpu.memory_space<hbm>> -> memref<8x4096xf32, #tpu.memory_space<hbm>>
    %dma_start3A_184 = arith.constant 0 : i32
    %dma_start3A_185 = tpu.memref_slice %arg3[%select_n3A_156, %mul3A_174, %dma_start3A_184] : memref<20x64x4096xf32, #tpu.memory_space<hbm>> -> memref<1x8x4096xf32, #tpu.memory_space<hbm>>
    %dma_start3A_186 = tpu.memref_squeeze %dma_start3A_185 : memref<1x8x4096xf32, #tpu.memory_space<hbm>> -> memref<8x4096xf32, #tpu.memory_space<hbm>>
    tpu.enqueue_dma source(%dma_start3A_186 : memref<8x4096xf32, #tpu.memory_space<hbm>>) target(%dma_start3A_183 : memref<8x4096xf32, #tpu.memory_space<hbm>>) target_semaphore(%arg7 : memref<!tpu.dma_semaphore, #tpu.memory_space<semaphore_mem>>)
    %dma_wait3A_187 = arith.constant 0 : i32
    %dma_wait3A_188 = tpu.memref_slice %arg4[%select_n3A_156, %mul3A_174, %dma_wait3A_187] : memref<20x64x4096xf32, #tpu.memory_space<hbm>> -> memref<1x8x4096xf32, #tpu.memory_space<hbm>>
    %dma_wait3A_189 = tpu.memref_squeeze %dma_wait3A_188 : memref<1x8x4096xf32, #tpu.memory_space<hbm>> -> memref<8x4096xf32, #tpu.memory_space<hbm>>
    %dma_wait3A_190 = arith.constant 0 : i32
    %dma_wait3A_191 = tpu.memref_slice %arg2[%select_n3A_156, %mul3A_174, %dma_wait3A_190] : memref<20x64x4096xf32, #tpu.memory_space<hbm>> -> memref<1x8x4096xf32, #tpu.memory_space<hbm>>
    %dma_wait3A_192 = tpu.memref_squeeze %dma_wait3A_191 : memref<1x8x4096xf32, #tpu.memory_space<hbm>> -> memref<8x4096xf32, #tpu.memory_space<hbm>>
    tpu.wait_dma2 semaphore(%arg6 : memref<!tpu.dma_semaphore, #tpu.memory_space<semaphore_mem>>) src(%dma_wait3A_192 : memref<8x4096xf32, #tpu.memory_space<hbm>>) dst(%dma_wait3A_189 : memref<8x4096xf32, #tpu.memory_space<hbm>>)
    %dma_wait3A_193 = arith.constant 0 : i32
    %dma_wait3A_194 = tpu.memref_slice %arg5[%select_n3A_156, %mul3A_174, %dma_wait3A_193] : memref<20x64x4096xf32, #tpu.memory_space<hbm>> -> memref<1x8x4096xf32, #tpu.memory_space<hbm>>
    %dma_wait3A_195 = tpu.memref_squeeze %dma_wait3A_194 : memref<1x8x4096xf32, #tpu.memory_space<hbm>> -> memref<8x4096xf32, #tpu.memory_space<hbm>>
    %dma_wait3A_196 = arith.constant 0 : i32
    %dma_wait3A_197 = tpu.memref_slice %arg3[%select_n3A_156, %mul3A_174, %dma_wait3A_196] : memref<20x64x4096xf32, #tpu.memory_space<hbm>> -> memref<1x8x4096xf32, #tpu.memory_space<hbm>>
    %dma_wait3A_198 = tpu.memref_squeeze %dma_wait3A_197 : memref<1x8x4096xf32, #tpu.memory_space<hbm>> -> memref<8x4096xf32, #tpu.memory_space<hbm>>
    tpu.wait_dma2 semaphore(%arg7 : memref<!tpu.dma_semaphore, #tpu.memory_space<semaphore_mem>>) src(%dma_wait3A_198 : memref<8x4096xf32, #tpu.memory_space<hbm>>) dst(%dma_wait3A_195 : memref<8x4096xf32, #tpu.memory_space<hbm>>)
    %mul3A_199 = arith.constant 5 : i32
    %mul3A_200 = arith.muli %add3A, %mul3A_199 : i32
    %add3A_201 = arith.constant 3 : i32
    %add3A_202 = arith.addi %mul3A_200, %add3A_201 : i32
    %jit3A_203 = arith.constant 8 : i32
    %div3A_204 = arith.divsi %add3A_202, %jit3A_203 : i32
    %sign3A_205 = arith.constant 0 : i32
    %sign3A_206 = arith.cmpi sgt, %add3A_202, %sign3A_205 : i32
    %sign3A_207 = arith.extui %sign3A_206 : i1 to i32
    %sign3A_208 = arith.constant 0 : i32
    %sign3A_209 = arith.cmpi slt, %add3A_202, %sign3A_208 : i32
    %sign3A_210 = arith.extui %sign3A_209 : i1 to i32
    %sign3A_211 = arith.subi %sign3A_207, %sign3A_210 : i32
    %sign3A_212 = arith.constant 0 : i32
    %sign3A_213 = arith.cmpi sgt, %jit3A_203, %sign3A_212 : i32
    %sign3A_214 = arith.extui %sign3A_213 : i1 to i32
    %sign3A_215 = arith.constant 0 : i32
    %sign3A_216 = arith.cmpi slt, %jit3A_203, %sign3A_215 : i32
    %sign3A_217 = arith.extui %sign3A_216 : i1 to i32
    %sign3A_218 = arith.subi %sign3A_214, %sign3A_217 : i32
    %ne3A_219 = arith.cmpi ne, %sign3A_211, %sign3A_218 : i32
    %rem3A_220 = arith.remsi %add3A_202, %jit3A_203 : i32
    %ne3A_221 = arith.constant 0 : i32
    %ne3A_222 = arith.cmpi ne, %rem3A_220, %ne3A_221 : i32
    %and3A_223 = arith.andi %ne3A_219, %ne3A_222 : i1
    %sub3A_224 = arith.constant 1 : i32
    %sub3A_225 = arith.subi %div3A_204, %sub3A_224 : i32
    %select_n3A_226 = arith.select %and3A_223, %sub3A_225, %div3A_204 : i32
    %jit3A_227 = arith.constant 8 : i32
    %eq3A_228 = arith.constant 0 : i32
    %eq3A_229 = arith.cmpi eq, %jit3A_227, %eq3A_228 : i32
    %jit3A_230 = arith.constant 1 : i32
    %select_n3A_231 = arith.select %eq3A_229, %jit3A_230, %jit3A_227 : i32
    %rem3A_232 = arith.remsi %add3A_202, %select_n3A_231 : i32
    %ne3A_233 = arith.constant 0 : i32
    %ne3A_234 = arith.cmpi ne, %rem3A_232, %ne3A_233 : i32
    %lt3A_235 = arith.constant 0 : i32
    %lt3A_236 = arith.cmpi slt, %rem3A_232, %lt3A_235 : i32
    %lt3A_237 = arith.constant 0 : i32
    %lt3A_238 = arith.cmpi slt, %select_n3A_231, %lt3A_237 : i32
    %ne3A_239 = arith.xori %lt3A_236, %lt3A_238 : i1
    %and3A_240 = arith.andi %ne3A_239, %ne3A_234 : i1
    %add3A_241 = arith.addi %rem3A_232, %select_n3A_231 : i32
    %select_n3A_242 = arith.select %and3A_240, %add3A_241, %rem3A_232 : i32
    %mul3A_243 = arith.constant 8 : i32
    %mul3A_244 = arith.muli %select_n3A_242, %mul3A_243 : i32
    %dma_start3A_245 = arith.constant 0 : i32
    %dma_start3A_246 = tpu.memref_slice %arg4[%select_n3A_226, %mul3A_244, %dma_start3A_245] : memref<20x64x4096xf32, #tpu.memory_space<hbm>> -> memref<1x8x4096xf32, #tpu.memory_space<hbm>>
    %dma_start3A_247 = tpu.memref_squeeze %dma_start3A_246 : memref<1x8x4096xf32, #tpu.memory_space<hbm>> -> memref<8x4096xf32, #tpu.memory_space<hbm>>
    %dma_start3A_248 = arith.constant 0 : i32
    %dma_start3A_249 = tpu.memref_slice %arg2[%select_n3A_226, %mul3A_244, %dma_start3A_248] : memref<20x64x4096xf32, #tpu.memory_space<hbm>> -> memref<1x8x4096xf32, #tpu.memory_space<hbm>>
    %dma_start3A_250 = tpu.memref_squeeze %dma_start3A_249 : memref<1x8x4096xf32, #tpu.memory_space<hbm>> -> memref<8x4096xf32, #tpu.memory_space<hbm>>
    tpu.enqueue_dma source(%dma_start3A_250 : memref<8x4096xf32, #tpu.memory_space<hbm>>) target(%dma_start3A_247 : memref<8x4096xf32, #tpu.memory_space<hbm>>) target_semaphore(%arg6 : memref<!tpu.dma_semaphore, #tpu.memory_space<semaphore_mem>>)
    %dma_start3A_251 = arith.constant 0 : i32
    %dma_start3A_252 = tpu.memref_slice %arg5[%select_n3A_226, %mul3A_244, %dma_start3A_251] : memref<20x64x4096xf32, #tpu.memory_space<hbm>> -> memref<1x8x4096xf32, #tpu.memory_space<hbm>>
    %dma_start3A_253 = tpu.memref_squeeze %dma_start3A_252 : memref<1x8x4096xf32, #tpu.memory_space<hbm>> -> memref<8x4096xf32, #tpu.memory_space<hbm>>
    %dma_start3A_254 = arith.constant 0 : i32
    %dma_start3A_255 = tpu.memref_slice %arg3[%select_n3A_226, %mul3A_244, %dma_start3A_254] : memref<20x64x4096xf32, #tpu.memory_space<hbm>> -> memref<1x8x4096xf32, #tpu.memory_space<hbm>>
    %dma_start3A_256 = tpu.memref_squeeze %dma_start3A_255 : memref<1x8x4096xf32, #tpu.memory_space<hbm>> -> memref<8x4096xf32, #tpu.memory_space<hbm>>
    tpu.enqueue_dma source(%dma_start3A_256 : memref<8x4096xf32, #tpu.memory_space<hbm>>) target(%dma_start3A_253 : memref<8x4096xf32, #tpu.memory_space<hbm>>) target_semaphore(%arg7 : memref<!tpu.dma_semaphore, #tpu.memory_space<semaphore_mem>>)
    %dma_wait3A_257 = arith.constant 0 : i32
    %dma_wait3A_258 = tpu.memref_slice %arg4[%select_n3A_226, %mul3A_244, %dma_wait3A_257] : memref<20x64x4096xf32, #tpu.memory_space<hbm>> -> memref<1x8x4096xf32, #tpu.memory_space<hbm>>
    %dma_wait3A_259 = tpu.memref_squeeze %dma_wait3A_258 : memref<1x8x4096xf32, #tpu.memory_space<hbm>> -> memref<8x4096xf32, #tpu.memory_space<hbm>>
    %dma_wait3A_260 = arith.constant 0 : i32
    %dma_wait3A_261 = tpu.memref_slice %arg2[%select_n3A_226, %mul3A_244, %dma_wait3A_260] : memref<20x64x4096xf32, #tpu.memory_space<hbm>> -> memref<1x8x4096xf32, #tpu.memory_space<hbm>>
    %dma_wait3A_262 = tpu.memref_squeeze %dma_wait3A_261 : memref<1x8x4096xf32, #tpu.memory_space<hbm>> -> memref<8x4096xf32, #tpu.memory_space<hbm>>
    tpu.wait_dma2 semaphore(%arg6 : memref<!tpu.dma_semaphore, #tpu.memory_space<semaphore_mem>>) src(%dma_wait3A_262 : memref<8x4096xf32, #tpu.memory_space<hbm>>) dst(%dma_wait3A_259 : memref<8x4096xf32, #tpu.memory_space<hbm>>)
    %dma_wait3A_263 = arith.constant 0 : i32
    %dma_wait3A_264 = tpu.memref_slice %arg5[%select_n3A_226, %mul3A_244, %dma_wait3A_263] : memref<20x64x4096xf32, #tpu.memory_space<hbm>> -> memref<1x8x4096xf32, #tpu.memory_space<hbm>>
    %dma_wait3A_265 = tpu.memref_squeeze %dma_wait3A_264 : memref<1x8x4096xf32, #tpu.memory_space<hbm>> -> memref<8x4096xf32, #tpu.memory_space<hbm>>
    %dma_wait3A_266 = arith.constant 0 : i32
    %dma_wait3A_267 = tpu.memref_slice %arg3[%select_n3A_226, %mul3A_244, %dma_wait3A_266] : memref<20x64x4096xf32, #tpu.memory_space<hbm>> -> memref<1x8x4096xf32, #tpu.memory_space<hbm>>
    %dma_wait3A_268 = tpu.memref_squeeze %dma_wait3A_267 : memref<1x8x4096xf32, #tpu.memory_space<hbm>> -> memref<8x4096xf32, #tpu.memory_space<hbm>>
    tpu.wait_dma2 semaphore(%arg7 : memref<!tpu.dma_semaphore, #tpu.memory_space<semaphore_mem>>) src(%dma_wait3A_268 : memref<8x4096xf32, #tpu.memory_space<hbm>>) dst(%dma_wait3A_265 : memref<8x4096xf32, #tpu.memory_space<hbm>>)
    %mul3A_269 = arith.constant 5 : i32
    %mul3A_270 = arith.muli %add3A, %mul3A_269 : i32
    %add3A_271 = arith.constant 4 : i32
    %add3A_272 = arith.addi %mul3A_270, %add3A_271 : i32
    %jit3A_273 = arith.constant 8 : i32
    %div3A_274 = arith.divsi %add3A_272, %jit3A_273 : i32
    %sign3A_275 = arith.constant 0 : i32
    %sign3A_276 = arith.cmpi sgt, %add3A_272, %sign3A_275 : i32
    %sign3A_277 = arith.extui %sign3A_276 : i1 to i32
    %sign3A_278 = arith.constant 0 : i32
    %sign3A_279 = arith.cmpi slt, %add3A_272, %sign3A_278 : i32
    %sign3A_280 = arith.extui %sign3A_279 : i1 to i32
    %sign3A_281 = arith.subi %sign3A_277, %sign3A_280 : i32
    %sign3A_282 = arith.constant 0 : i32
    %sign3A_283 = arith.cmpi sgt, %jit3A_273, %sign3A_282 : i32
    %sign3A_284 = arith.extui %sign3A_283 : i1 to i32
    %sign3A_285 = arith.constant 0 : i32
    %sign3A_286 = arith.cmpi slt, %jit3A_273, %sign3A_285 : i32
    %sign3A_287 = arith.extui %sign3A_286 : i1 to i32
    %sign3A_288 = arith.subi %sign3A_284, %sign3A_287 : i32
    %ne3A_289 = arith.cmpi ne, %sign3A_281, %sign3A_288 : i32
    %rem3A_290 = arith.remsi %add3A_272, %jit3A_273 : i32
    %ne3A_291 = arith.constant 0 : i32
    %ne3A_292 = arith.cmpi ne, %rem3A_290, %ne3A_291 : i32
    %and3A_293 = arith.andi %ne3A_289, %ne3A_292 : i1
    %sub3A_294 = arith.constant 1 : i32
    %sub3A_295 = arith.subi %div3A_274, %sub3A_294 : i32
    %select_n3A_296 = arith.select %and3A_293, %sub3A_295, %div3A_274 : i32
    %jit3A_297 = arith.constant 8 : i32
    %eq3A_298 = arith.constant 0 : i32
    %eq3A_299 = arith.cmpi eq, %jit3A_297, %eq3A_298 : i32
    %jit3A_300 = arith.constant 1 : i32
    %select_n3A_301 = arith.select %eq3A_299, %jit3A_300, %jit3A_297 : i32
    %rem3A_302 = arith.remsi %add3A_272, %select_n3A_301 : i32
    %ne3A_303 = arith.constant 0 : i32
    %ne3A_304 = arith.cmpi ne, %rem3A_302, %ne3A_303 : i32
    %lt3A_305 = arith.constant 0 : i32
    %lt3A_306 = arith.cmpi slt, %rem3A_302, %lt3A_305 : i32
    %lt3A_307 = arith.constant 0 : i32
    %lt3A_308 = arith.cmpi slt, %select_n3A_301, %lt3A_307 : i32
    %ne3A_309 = arith.xori %lt3A_306, %lt3A_308 : i1
    %and3A_310 = arith.andi %ne3A_309, %ne3A_304 : i1
    %add3A_311 = arith.addi %rem3A_302, %select_n3A_301 : i32
    %select_n3A_312 = arith.select %and3A_310, %add3A_311, %rem3A_302 : i32
    %mul3A_313 = arith.constant 8 : i32
    %mul3A_314 = arith.muli %select_n3A_312, %mul3A_313 : i32
    %dma_start3A_315 = arith.constant 0 : i32
    %dma_start3A_316 = tpu.memref_slice %arg4[%select_n3A_296, %mul3A_314, %dma_start3A_315] : memref<20x64x4096xf32, #tpu.memory_space<hbm>> -> memref<1x8x4096xf32, #tpu.memory_space<hbm>>
    %dma_start3A_317 = tpu.memref_squeeze %dma_start3A_316 : memref<1x8x4096xf32, #tpu.memory_space<hbm>> -> memref<8x4096xf32, #tpu.memory_space<hbm>>
    %dma_start3A_318 = arith.constant 0 : i32
    %dma_start3A_319 = tpu.memref_slice %arg2[%select_n3A_296, %mul3A_314, %dma_start3A_318] : memref<20x64x4096xf32, #tpu.memory_space<hbm>> -> memref<1x8x4096xf32, #tpu.memory_space<hbm>>
    %dma_start3A_320 = tpu.memref_squeeze %dma_start3A_319 : memref<1x8x4096xf32, #tpu.memory_space<hbm>> -> memref<8x4096xf32, #tpu.memory_space<hbm>>
    tpu.enqueue_dma source(%dma_start3A_320 : memref<8x4096xf32, #tpu.memory_space<hbm>>) target(%dma_start3A_317 : memref<8x4096xf32, #tpu.memory_space<hbm>>) target_semaphore(%arg6 : memref<!tpu.dma_semaphore, #tpu.memory_space<semaphore_mem>>)
    %dma_start3A_321 = arith.constant 0 : i32
    %dma_start3A_322 = tpu.memref_slice %arg5[%select_n3A_296, %mul3A_314, %dma_start3A_321] : memref<20x64x4096xf32, #tpu.memory_space<hbm>> -> memref<1x8x4096xf32, #tpu.memory_space<hbm>>
    %dma_start3A_323 = tpu.memref_squeeze %dma_start3A_322 : memref<1x8x4096xf32, #tpu.memory_space<hbm>> -> memref<8x4096xf32, #tpu.memory_space<hbm>>
    %dma_start3A_324 = arith.constant 0 : i32
    %dma_start3A_325 = tpu.memref_slice %arg3[%select_n3A_296, %mul3A_314, %dma_start3A_324] : memref<20x64x4096xf32, #tpu.memory_space<hbm>> -> memref<1x8x4096xf32, #tpu.memory_space<hbm>>
    %dma_start3A_326 = tpu.memref_squeeze %dma_start3A_325 : memref<1x8x4096xf32, #tpu.memory_space<hbm>> -> memref<8x4096xf32, #tpu.memory_space<hbm>>
    tpu.enqueue_dma source(%dma_start3A_326 : memref<8x4096xf32, #tpu.memory_space<hbm>>) target(%dma_start3A_323 : memref<8x4096xf32, #tpu.memory_space<hbm>>) target_semaphore(%arg7 : memref<!tpu.dma_semaphore, #tpu.memory_space<semaphore_mem>>)
    %dma_wait3A_327 = arith.constant 0 : i32
    %dma_wait3A_328 = tpu.memref_slice %arg4[%select_n3A_296, %mul3A_314, %dma_wait3A_327] : memref<20x64x4096xf32, #tpu.memory_space<hbm>> -> memref<1x8x4096xf32, #tpu.memory_space<hbm>>
    %dma_wait3A_329 = tpu.memref_squeeze %dma_wait3A_328 : memref<1x8x4096xf32, #tpu.memory_space<hbm>> -> memref<8x4096xf32, #tpu.memory_space<hbm>>
    %dma_wait3A_330 = arith.constant 0 : i32
    %dma_wait3A_331 = tpu.memref_slice %arg2[%select_n3A_296, %mul3A_314, %dma_wait3A_330] : memref<20x64x4096xf32, #tpu.memory_space<hbm>> -> memref<1x8x4096xf32, #tpu.memory_space<hbm>>
    %dma_wait3A_332 = tpu.memref_squeeze %dma_wait3A_331 : memref<1x8x4096xf32, #tpu.memory_space<hbm>> -> memref<8x4096xf32, #tpu.memory_space<hbm>>
    tpu.wait_dma2 semaphore(%arg6 : memref<!tpu.dma_semaphore, #tpu.memory_space<semaphore_mem>>) src(%dma_wait3A_332 : memref<8x4096xf32, #tpu.memory_space<hbm>>) dst(%dma_wait3A_329 : memref<8x4096xf32, #tpu.memory_space<hbm>>)
    %dma_wait3A_333 = arith.constant 0 : i32
    %dma_wait3A_334 = tpu.memref_slice %arg5[%select_n3A_296, %mul3A_314, %dma_wait3A_333] : memref<20x64x4096xf32, #tpu.memory_space<hbm>> -> memref<1x8x4096xf32, #tpu.memory_space<hbm>>
    %dma_wait3A_335 = tpu.memref_squeeze %dma_wait3A_334 : memref<1x8x4096xf32, #tpu.memory_space<hbm>> -> memref<8x4096xf32, #tpu.memory_space<hbm>>
    %dma_wait3A_336 = arith.constant 0 : i32
    %dma_wait3A_337 = tpu.memref_slice %arg3[%select_n3A_296, %mul3A_314, %dma_wait3A_336] : memref<20x64x4096xf32, #tpu.memory_space<hbm>> -> memref<1x8x4096xf32, #tpu.memory_space<hbm>>
    %dma_wait3A_338 = tpu.memref_squeeze %dma_wait3A_337 : memref<1x8x4096xf32, #tpu.memory_space<hbm>> -> memref<8x4096xf32, #tpu.memory_space<hbm>>
    tpu.wait_dma2 semaphore(%arg7 : memref<!tpu.dma_semaphore, #tpu.memory_space<semaphore_mem>>) src(%dma_wait3A_338 : memref<8x4096xf32, #tpu.memory_space<hbm>>) dst(%dma_wait3A_335 : memref<8x4096xf32, #tpu.memory_space<hbm>>)
    return
  }
}

module attributes {stable_mosaic.version = 14 : i64} {
  func.func @_tc_body(%arg0: i32, %arg1: memref<20x256xi32, #tpu.memory_space<vmem>>, %arg2: memref<20x64x256xf32, #tpu.memory_space<vmem>>, %arg3: memref<20x64x256xf32, #tpu.memory_space<vmem>>, %arg4: memref<20x64x256xf32, #tpu.memory_space<vmem>>, %arg5: memref<20x64x256xf32, #tpu.memory_space<vmem>>) attributes {dimension_semantics = [#tpu.dimension_semantics<arbitrary>], iteration_bounds = array<i64: 16>, scalar_prefetch = 0 : i64, scratch_operands = 0 : i64, tpu.core_type = #tpu.core_type<tc>, window_params = [{transform_indices = @transform_0, window_bounds = array<i64: 20, 256>}, {transform_indices = @transform_1, window_bounds = array<i64: 20, 64, 256>}, {transform_indices = @transform_2, window_bounds = array<i64: 20, 64, 256>}, {transform_indices = @transform_3, window_bounds = array<i64: 20, 64, 256>}, {transform_indices = @transform_4, window_bounds = array<i64: 20, 64, 256>}]} {
    %get3A = arith.constant 0 : index
    %get3A_0 = arith.constant 0 : index
    %get3A_1 = arith.constant 0 : index
    %get3A_2 = vector.load %arg2[%get3A, %get3A_0, %get3A_1] : memref<20x64x256xf32, #tpu.memory_space<vmem>>, vector<20x64x256xf32>
    %get3A_3 = arith.constant 0 : index
    %get3A_4 = arith.constant 0 : index
    %get3A_5 = arith.constant 0 : index
    %get3A_6 = vector.load %arg3[%get3A_3, %get3A_4, %get3A_5] : memref<20x64x256xf32, #tpu.memory_space<vmem>>, vector<20x64x256xf32>
    %get3A_7 = arith.constant 0 : index
    %get3A_8 = arith.constant 0 : index
    %get3A_9 = vector.load %arg1[%get3A_7, %get3A_8] : memref<20x256xi32, #tpu.memory_space<vmem>>, vector<20x256xi32>
    %iota3A = tpu.iota {dimensions = array<i32: 0>} : vector<20x256xi32>
    %sub3A = arith.subi %get3A_9, %iota3A : vector<20x256xi32>
    %broadcast_in_dim3A = arith.constant 0.000000e+00 : f32
    %broadcast_in_dim3A_10 = vector.broadcast %broadcast_in_dim3A : f32 to vector<8x64x256xf32>
    %concatenate3A = tpu.concatenate %get3A_2, %broadcast_in_dim3A_10 in 0 : vector<20x64x256xf32>, vector<8x64x256xf32> -> vector<28x64x256xf32>
    %broadcast_in_dim3A_11 = arith.constant 0.000000e+00 : f32
    %broadcast_in_dim3A_12 = vector.broadcast %broadcast_in_dim3A_11 : f32 to vector<20x64x256xf32>
    %eq3A = arith.constant 0 : i32
    %eq3A_13 = vector.broadcast %eq3A : i32 to vector<20x256xi32>
    %eq3A_14 = arith.cmpi eq, %sub3A, %eq3A_13 : vector<20x256xi32>
    %convert_element_type3A = arith.extui %eq3A_14 : vector<20x256xi1> to vector<20x256xi32>
    %convert_element_type3A_15 = arith.sitofp %convert_element_type3A : vector<20x256xi32> to vector<20x256xf32>
    %broadcast_in_dim3A_16 = vector.shape_cast %convert_element_type3A_15 : vector<20x256xf32> to vector<20x1x256xf32>
    %slice3A = vector.extract_strided_slice %concatenate3A {offsets = [0, 0, 0], sizes = [20, 64, 256], strides = [1, 1, 1]} : vector<28x64x256xf32> to vector<20x64x256xf32>
    %mul3A = vector.broadcast %broadcast_in_dim3A_16 : vector<20x1x256xf32> to vector<20x64x256xf32>
    %mul3A_17 = arith.mulf %mul3A, %slice3A : vector<20x64x256xf32>
    %add3A = arith.addf %broadcast_in_dim3A_12, %mul3A_17 : vector<20x64x256xf32>
    %eq3A_18 = arith.constant 1 : i32
    %eq3A_19 = vector.broadcast %eq3A_18 : i32 to vector<20x256xi32>
    %eq3A_20 = arith.cmpi eq, %sub3A, %eq3A_19 : vector<20x256xi32>
    %convert_element_type3A_21 = arith.extui %eq3A_20 : vector<20x256xi1> to vector<20x256xi32>
    %convert_element_type3A_22 = arith.sitofp %convert_element_type3A_21 : vector<20x256xi32> to vector<20x256xf32>
    %broadcast_in_dim3A_23 = vector.shape_cast %convert_element_type3A_22 : vector<20x256xf32> to vector<20x1x256xf32>
    %slice3A_24 = vector.extract_strided_slice %concatenate3A {offsets = [1, 0, 0], sizes = [20, 64, 256], strides = [1, 1, 1]} : vector<28x64x256xf32> to vector<20x64x256xf32>
    %mul3A_25 = vector.broadcast %broadcast_in_dim3A_23 : vector<20x1x256xf32> to vector<20x64x256xf32>
    %mul3A_26 = arith.mulf %mul3A_25, %slice3A_24 : vector<20x64x256xf32>
    %add3A_27 = arith.addf %add3A, %mul3A_26 : vector<20x64x256xf32>
    %eq3A_28 = arith.constant 2 : i32
    %eq3A_29 = vector.broadcast %eq3A_28 : i32 to vector<20x256xi32>
    %eq3A_30 = arith.cmpi eq, %sub3A, %eq3A_29 : vector<20x256xi32>
    %convert_element_type3A_31 = arith.extui %eq3A_30 : vector<20x256xi1> to vector<20x256xi32>
    %convert_element_type3A_32 = arith.sitofp %convert_element_type3A_31 : vector<20x256xi32> to vector<20x256xf32>
    %broadcast_in_dim3A_33 = vector.shape_cast %convert_element_type3A_32 : vector<20x256xf32> to vector<20x1x256xf32>
    %slice3A_34 = vector.extract_strided_slice %concatenate3A {offsets = [2, 0, 0], sizes = [20, 64, 256], strides = [1, 1, 1]} : vector<28x64x256xf32> to vector<20x64x256xf32>
    %mul3A_35 = vector.broadcast %broadcast_in_dim3A_33 : vector<20x1x256xf32> to vector<20x64x256xf32>
    %mul3A_36 = arith.mulf %mul3A_35, %slice3A_34 : vector<20x64x256xf32>
    %add3A_37 = arith.addf %add3A_27, %mul3A_36 : vector<20x64x256xf32>
    %eq3A_38 = arith.constant 3 : i32
    %eq3A_39 = vector.broadcast %eq3A_38 : i32 to vector<20x256xi32>
    %eq3A_40 = arith.cmpi eq, %sub3A, %eq3A_39 : vector<20x256xi32>
    %convert_element_type3A_41 = arith.extui %eq3A_40 : vector<20x256xi1> to vector<20x256xi32>
    %convert_element_type3A_42 = arith.sitofp %convert_element_type3A_41 : vector<20x256xi32> to vector<20x256xf32>
    %broadcast_in_dim3A_43 = vector.shape_cast %convert_element_type3A_42 : vector<20x256xf32> to vector<20x1x256xf32>
    %slice3A_44 = vector.extract_strided_slice %concatenate3A {offsets = [3, 0, 0], sizes = [20, 64, 256], strides = [1, 1, 1]} : vector<28x64x256xf32> to vector<20x64x256xf32>
    %mul3A_45 = vector.broadcast %broadcast_in_dim3A_43 : vector<20x1x256xf32> to vector<20x64x256xf32>
    %mul3A_46 = arith.mulf %mul3A_45, %slice3A_44 : vector<20x64x256xf32>
    %add3A_47 = arith.addf %add3A_37, %mul3A_46 : vector<20x64x256xf32>
    %eq3A_48 = arith.constant 4 : i32
    %eq3A_49 = vector.broadcast %eq3A_48 : i32 to vector<20x256xi32>
    %eq3A_50 = arith.cmpi eq, %sub3A, %eq3A_49 : vector<20x256xi32>
    %convert_element_type3A_51 = arith.extui %eq3A_50 : vector<20x256xi1> to vector<20x256xi32>
    %convert_element_type3A_52 = arith.sitofp %convert_element_type3A_51 : vector<20x256xi32> to vector<20x256xf32>
    %broadcast_in_dim3A_53 = vector.shape_cast %convert_element_type3A_52 : vector<20x256xf32> to vector<20x1x256xf32>
    %slice3A_54 = vector.extract_strided_slice %concatenate3A {offsets = [4, 0, 0], sizes = [20, 64, 256], strides = [1, 1, 1]} : vector<28x64x256xf32> to vector<20x64x256xf32>
    %mul3A_55 = vector.broadcast %broadcast_in_dim3A_53 : vector<20x1x256xf32> to vector<20x64x256xf32>
    %mul3A_56 = arith.mulf %mul3A_55, %slice3A_54 : vector<20x64x256xf32>
    %add3A_57 = arith.addf %add3A_47, %mul3A_56 : vector<20x64x256xf32>
    %eq3A_58 = arith.constant 5 : i32
    %eq3A_59 = vector.broadcast %eq3A_58 : i32 to vector<20x256xi32>
    %eq3A_60 = arith.cmpi eq, %sub3A, %eq3A_59 : vector<20x256xi32>
    %convert_element_type3A_61 = arith.extui %eq3A_60 : vector<20x256xi1> to vector<20x256xi32>
    %convert_element_type3A_62 = arith.sitofp %convert_element_type3A_61 : vector<20x256xi32> to vector<20x256xf32>
    %broadcast_in_dim3A_63 = vector.shape_cast %convert_element_type3A_62 : vector<20x256xf32> to vector<20x1x256xf32>
    %slice3A_64 = vector.extract_strided_slice %concatenate3A {offsets = [5, 0, 0], sizes = [20, 64, 256], strides = [1, 1, 1]} : vector<28x64x256xf32> to vector<20x64x256xf32>
    %mul3A_65 = vector.broadcast %broadcast_in_dim3A_63 : vector<20x1x256xf32> to vector<20x64x256xf32>
    %mul3A_66 = arith.mulf %mul3A_65, %slice3A_64 : vector<20x64x256xf32>
    %add3A_67 = arith.addf %add3A_57, %mul3A_66 : vector<20x64x256xf32>
    %eq3A_68 = arith.constant 6 : i32
    %eq3A_69 = vector.broadcast %eq3A_68 : i32 to vector<20x256xi32>
    %eq3A_70 = arith.cmpi eq, %sub3A, %eq3A_69 : vector<20x256xi32>
    %convert_element_type3A_71 = arith.extui %eq3A_70 : vector<20x256xi1> to vector<20x256xi32>
    %convert_element_type3A_72 = arith.sitofp %convert_element_type3A_71 : vector<20x256xi32> to vector<20x256xf32>
    %broadcast_in_dim3A_73 = vector.shape_cast %convert_element_type3A_72 : vector<20x256xf32> to vector<20x1x256xf32>
    %slice3A_74 = vector.extract_strided_slice %concatenate3A {offsets = [6, 0, 0], sizes = [20, 64, 256], strides = [1, 1, 1]} : vector<28x64x256xf32> to vector<20x64x256xf32>
    %mul3A_75 = vector.broadcast %broadcast_in_dim3A_73 : vector<20x1x256xf32> to vector<20x64x256xf32>
    %mul3A_76 = arith.mulf %mul3A_75, %slice3A_74 : vector<20x64x256xf32>
    %add3A_77 = arith.addf %add3A_67, %mul3A_76 : vector<20x64x256xf32>
    %eq3A_78 = arith.constant 7 : i32
    %eq3A_79 = vector.broadcast %eq3A_78 : i32 to vector<20x256xi32>
    %eq3A_80 = arith.cmpi eq, %sub3A, %eq3A_79 : vector<20x256xi32>
    %convert_element_type3A_81 = arith.extui %eq3A_80 : vector<20x256xi1> to vector<20x256xi32>
    %convert_element_type3A_82 = arith.sitofp %convert_element_type3A_81 : vector<20x256xi32> to vector<20x256xf32>
    %broadcast_in_dim3A_83 = vector.shape_cast %convert_element_type3A_82 : vector<20x256xf32> to vector<20x1x256xf32>
    %slice3A_84 = vector.extract_strided_slice %concatenate3A {offsets = [7, 0, 0], sizes = [20, 64, 256], strides = [1, 1, 1]} : vector<28x64x256xf32> to vector<20x64x256xf32>
    %mul3A_85 = vector.broadcast %broadcast_in_dim3A_83 : vector<20x1x256xf32> to vector<20x64x256xf32>
    %mul3A_86 = arith.mulf %mul3A_85, %slice3A_84 : vector<20x64x256xf32>
    %add3A_87 = arith.addf %add3A_77, %mul3A_86 : vector<20x64x256xf32>
    %eq3A_88 = arith.constant 8 : i32
    %eq3A_89 = vector.broadcast %eq3A_88 : i32 to vector<20x256xi32>
    %eq3A_90 = arith.cmpi eq, %sub3A, %eq3A_89 : vector<20x256xi32>
    %convert_element_type3A_91 = arith.extui %eq3A_90 : vector<20x256xi1> to vector<20x256xi32>
    %convert_element_type3A_92 = arith.sitofp %convert_element_type3A_91 : vector<20x256xi32> to vector<20x256xf32>
    %broadcast_in_dim3A_93 = vector.shape_cast %convert_element_type3A_92 : vector<20x256xf32> to vector<20x1x256xf32>
    %slice3A_94 = vector.extract_strided_slice %concatenate3A {offsets = [8, 0, 0], sizes = [20, 64, 256], strides = [1, 1, 1]} : vector<28x64x256xf32> to vector<20x64x256xf32>
    %mul3A_95 = vector.broadcast %broadcast_in_dim3A_93 : vector<20x1x256xf32> to vector<20x64x256xf32>
    %mul3A_96 = arith.mulf %mul3A_95, %slice3A_94 : vector<20x64x256xf32>
    %add3A_97 = arith.addf %add3A_87, %mul3A_96 : vector<20x64x256xf32>
    %iota3A_98 = tpu.iota {dimensions = array<i32: 1>} : vector<20x64x256xi32>
    %eq3A_99 = arith.constant 127 : i32
    %eq3A_100 = vector.broadcast %eq3A_99 : i32 to vector<20x256xi32>
    %eq3A_101 = arith.cmpi eq, %get3A_9, %eq3A_100 : vector<20x256xi32>
    %convert_element_type3A_102 = arith.extui %eq3A_101 : vector<20x256xi1> to vector<20x256xi32>
    %convert_element_type3A_103 = arith.sitofp %convert_element_type3A_102 : vector<20x256xi32> to vector<20x256xf32>
    %broadcast_in_dim3A_104 = vector.shape_cast %convert_element_type3A_103 : vector<20x256xf32> to vector<20x1x256xf32>
    %eq3A_105 = arith.constant 0 : i32
    %eq3A_106 = vector.broadcast %eq3A_105 : i32 to vector<20x64x256xi32>
    %eq3A_107 = arith.cmpi eq, %iota3A_98, %eq3A_106 : vector<20x64x256xi32>
    %convert_element_type3A_108 = arith.extui %eq3A_107 : vector<20x64x256xi1> to vector<20x64x256xi32>
    %convert_element_type3A_109 = arith.sitofp %convert_element_type3A_108 : vector<20x64x256xi32> to vector<20x64x256xf32>
    %mul3A_110 = vector.broadcast %broadcast_in_dim3A_104 : vector<20x1x256xf32> to vector<20x64x256xf32>
    %mul3A_111 = arith.mulf %mul3A_110, %convert_element_type3A_109 : vector<20x64x256xf32>
    %add3A_112 = arith.addf %add3A_97, %mul3A_111 : vector<20x64x256xf32>
    %swap3A = arith.constant 0 : index
    %swap3A_113 = arith.constant 0 : index
    %swap3A_114 = arith.constant 0 : index
    %swap3A_115 = vector.load %arg4[%swap3A, %swap3A_113, %swap3A_114] : memref<20x64x256xf32, #tpu.memory_space<vmem>>, vector<20x64x256xf32>
    tpu.vector_store %arg4[%swap3A, %swap3A_113, %swap3A_114], %add3A_112 {strides = array<i32>} : memref<20x64x256xf32, #tpu.memory_space<vmem>>, vector<20x64x256xf32>,
    %reduce_sum3A = arith.constant dense<0.000000e+00> : vector<20x256xf32>
    %reduce_sum3A_116 = vector.multi_reduction <add>, %get3A_6, %reduce_sum3A [1] : vector<20x64x256xf32> to vector<20x256xf32>
    %broadcast_in_dim3A_117 = vector.shape_cast %reduce_sum3A_116 : vector<20x256xf32> to vector<20x1x256xf32>
    %slice3A_118 = vector.extract_strided_slice %get3A_6 {offsets = [0, 0, 0], sizes = [20, 1, 256], strides = [1, 1, 1]} : vector<20x64x256xf32> to vector<20x1x256xf32>
    %sub3A_119 = arith.subf %broadcast_in_dim3A_117, %slice3A_118 : vector<20x1x256xf32>
    %mul3A_120 = arith.constant 0.899999976 : f32
    %mul3A_121 = vector.broadcast %mul3A_120 : f32 to vector<20x1x256xf32>
    %mul3A_122 = arith.mulf %mul3A_121, %sub3A_119 : vector<20x1x256xf32>
    %sub3A_123 = arith.constant 1.000000e+00 : f32
    %sub3A_124 = vector.broadcast %sub3A_123 : f32 to vector<20x1x256xf32>
    %sub3A_125 = arith.subf %sub3A_124, %mul3A_122 : vector<20x1x256xf32>
    %eq3A_126 = arith.constant 0 : i32
    %eq3A_127 = vector.broadcast %eq3A_126 : i32 to vector<20x64x256xi32>
    %eq3A_128 = arith.cmpi eq, %iota3A_98, %eq3A_127 : vector<20x64x256xi32>
    %mul3A_129 = arith.constant 0.899999976 : f32
    %mul3A_130 = vector.broadcast %mul3A_129 : f32 to vector<20x64x256xf32>
    %mul3A_131 = arith.mulf %mul3A_130, %get3A_6 : vector<20x64x256xf32>
    %broadcast_in_dim3A_132 = vector.shape_cast %sub3A_125 : vector<20x1x256xf32> to vector<20x1x256xf32>
    %broadcast_in_dim3A_133 = vector.broadcast %broadcast_in_dim3A_132 : vector<20x1x256xf32> to vector<20x64x256xf32>
    %select_n3A = arith.select %eq3A_128, %broadcast_in_dim3A_133, %mul3A_131 : vector<20x64x256xi1>, vector<20x64x256xf32>
    %swap3A_134 = arith.constant 0 : index
    %swap3A_135 = arith.constant 0 : index
    %swap3A_136 = arith.constant 0 : index
    %swap3A_137 = vector.load %arg5[%swap3A_134, %swap3A_135, %swap3A_136] : memref<20x64x256xf32, #tpu.memory_space<vmem>>, vector<20x64x256xf32>
    tpu.vector_store %arg5[%swap3A_134, %swap3A_135, %swap3A_136], %select_n3A {strides = array<i32>} : memref<20x64x256xf32, #tpu.memory_space<vmem>>, vector<20x64x256xf32>,
    return
  }
  func.func @transform_0(%arg0: i32) -> (i32, i32) {
    %c0_i32 = arith.constant 0 : i32
    %c0_i32_0 = arith.constant 0 : i32
    return %c0_i32, %arg0 : i32, i32
  }
  func.func @transform_1(%arg0: i32) -> (i32, i32, i32) {
    %c0_i32 = arith.constant 0 : i32
    %c0_i32_0 = arith.constant 0 : i32
    %c0_i32_1 = arith.constant 0 : i32
    return %c0_i32, %c0_i32_0, %arg0 : i32, i32, i32
  }
  func.func @transform_2(%arg0: i32) -> (i32, i32, i32) {
    %c0_i32 = arith.constant 0 : i32
    %c0_i32_0 = arith.constant 0 : i32
    %c0_i32_1 = arith.constant 0 : i32
    return %c0_i32, %c0_i32_0, %arg0 : i32, i32, i32
  }
  func.func @transform_3(%arg0: i32) -> (i32, i32, i32) {
    %c0_i32 = arith.constant 0 : i32
    %c0_i32_0 = arith.constant 0 : i32
    %c0_i32_1 = arith.constant 0 : i32
    return %c0_i32, %c0_i32_0, %arg0 : i32, i32, i32
  }
  func.func @transform_4(%arg0: i32) -> (i32, i32, i32) {
    %c0_i32 = arith.constant 0 : i32
    %c0_i32_0 = arith.constant 0 : i32
    %c0_i32_1 = arith.constant 0 : i32
    return %c0_i32, %c0_i32_0, %arg0 : i32, i32, i32
  }
}

</mosaic_0001>

<sc_bundles>
// kernel: kernel.4.cloned.1.call-start
scs
__scs_entry_jumppad:
0x0: {  	(pc) =	sbr.rel $0x88, $3  }
0x1: {  	(tag) =	ssettag $0x0;
	lr =	simm.s32 $0x1  }
0x2: {  	[smem:$0x3F9F] =	sst lr;
	_ =	strace $0xD0000000  }
0x3: {  	_ = 	snop  }
0x4: {  	_ = 	snop  }
0x5: {  	_ = 	snop  }
0x6: {  	_ = 	snop  }
0x7: {  	_ = 	snop  }
__scs_overlays_trampoline_lowered:
0x8: {  	[smem:$0x3FAE] =	sst s0  }
0x9: {  	[smem:$0x3FAF] =	sst s1  }
0xa: {  	[smem:$0x3FB0] =	sst s2  }
0xb: {  	[smem:$0x3FB1] =	sst s3  }
0xc: {  	[smem:$0x3FB2] =	sst s4  }
0xd: {  	[smem:$0x3FB3] =	sst s5  }
0xe: {  	[smem:$0x3FB4] =	sst s6  }
0xf: {  	[smem:$0x3FB5] =	sst s7  }
0x10: {  	[smem:$0x3FB6] =	sst s8  }
0x11: {  	[smem:$0x3FB7] =	sst s9;
	s0 =	simm.s32 @!p0 $0x0  }
0x12: {  	s1 =	sld [smem:$0x3F9D];
	s0 =	simm.s32 @p0 $0x1  }
0x13: {  	[smem:$0x3FB8] =	sst s0;
	s0 =	simm.s32 @!p1 $0x0  }
0x14: {  	s2 =	sld [smem:$0x3F9C];
	s0 =	simm.s32 @p1 $0x1  }
0x15: {  	[smem:$0x3FB9] =	sst s0;
	s0 =	simm.s32 @!p2 $0x0  }
0x16: {  	s3 =	sld [smem:$0x3FDB];
	s0 =	simm.s32 @p2 $0x1  }
0x17: {  	s4 =	simm.s32 $0x1BF5;
	[smem:$0x3FBB] =	sst s0  }
0x18: {  	s0 =	sld [smem:$0x3F9E];
	_ =	swait.ge [sflag:s4], $0x0  }
0x19: {  	s7 =	sld [smem:$0x3F9F]  }
0x1a: {  	s8 =	sadd.s32 $0xFFFFE003, lr  }
0x1b: {  	s9 =	sadd.s32 $0xFFFFFEF7, lr;
	s5 =	simm.s32 $0xFFFFFFFF;
	p2 =	slt.u32 s8, $0xFFFFF086  }
0x1c: {  	p1 =	slt.u32 s9, $0xF7A;
	s5 =	simm.s32 @!p2 $0x0  }
0x1d: {  	s5 =	simm.s32 @p1 $0x1;
	p0 =	seq.s32 s7, s2  }
0x1e: {  	s7 =	smul.u32 @!p0 $0xF7A, s2;
	p2 =	seq.s32 @!p0 s5, $0x0  }
0x1f: {  	s9 =	smul.u32 $0xF7A, s1;
	s8 =	simm.s32 @!p0 $0x1BF5;
	p2 =	por !p2, p0  }
0x20: {  	[sflag:s8] =	ssyncset.s32 @!p0 $0xFFFFF086;
	s6 =	sadd.s32 @!p0 s3, s7;
	s7 =	simm.s32 @!p0 $0x108  }
0x21: {  	s3 =	sadd.s32 s3, s9;
	s6 =	sadd.s32 @!p0 $0x88, s6;
	s7 =	simm.s32 @p2 $0x1082  }
0x22: {  	[simem:s7], [sflag:s8] =	dma.local @!p0 [hbm:s6], $0xF7A  }
0x23: {  	s9 =	sor.u32 $0xD0000000, s2;
	s6 =	simm.s32 $0x108;
	_ =	swait.ge @!p0 [sflag:s8], $0x0  }
0x24: {  	s3 =	sadd.s32 $0x88, s3;
	s6 =	simm.s32 @!p1 $0x1082;
	[sflag:s4] =	ssyncset.s32 $0xFFFFF086  }
0x25: {  	[simem:s6], [sflag:s4] =	dma.local [hbm:s3], $0xF7A  }
0x26: {  	[smem:$0x3F9F] =	sst s1;
	(tag) =	ssettag s2;
	_ =	strace s9  }
0x27: {  	s1 =	sld [smem:$0x3FAF]  }
0x28: {  	s2 =	sld [smem:$0x3FB0]  }
0x29: {  	s4 =	sld [smem:$0x3FB2]  }
0x2a: {  	p0 =	seq.s32 s5, $0x0;
	s5 =	sld [smem:$0x3FB3]  }
0x2b: {  	s6 =	sld [smem:$0x3FB4]  }
0x2c: {  	s7 =	sld [smem:$0x3FB5]  }
0x2d: {  	s3 =	simm.s32 $0x108;
	s8 =	sld [smem:$0x3FB6]  }
0x2e: {  	s3 =	simm.s32 @!p0 $0x1082;
	s9 =	sld [smem:$0x3FB7]  }
0x2f: {  	lr =	sadd.s32 s0, s3;
	s0 =	sld [smem:$0x3FAE]  }
0x30: {  	s3 =	sld [smem:$0x3FB1]  }
0x31: {  	[smem:$0x3FBA] =	sst s10  }
0x32: {  	s10 =	sld [smem:$0x3FB8];
	_ =	sdelay $0x3  }
0x33: {  	p0 =	seq.s32 s10, $0x1;
	s10 =	sld [smem:$0x3FBA];
	_ =	sdelay $0x3  }
0x34: {  	[smem:$0x3FBA] =	sst s10  }
0x35: {  	s10 =	sld [smem:$0x3FB9];
	_ =	sdelay $0x3  }
0x36: {  	p1 =	seq.s32 s10, $0x1;
	s10 =	sld [smem:$0x3FBA];
	_ =	sdelay $0x3  }
0x37: {  	[smem:$0x3FBA] =	sst s10  }
0x38: {  	s10 =	sld [smem:$0x3FBB]  }
0x39: {  	_ = 	snop;
	(pc) =	sbr.ind lr, $3  }
0x3a: {  	_ = 	snop  }
0x3b: {  	_ = 	snop  }
0x3c: {  	p2 =	seq.s32 s10, $0x1;
	s10 =	sld [smem:$0x3FBA]  }
0x3d: {  	_ =	shalt  }
0x3e: {  	_ =	shalt  }
0x3f: {  	_ =	shalt  }
0x40: {  	_ =	shalt  }
0x41: {  	_ =	shalt  }
0x42: {  	_ =	shalt  }
0x43: {  	_ =	shalt  }
0x44: {  	_ =	shalt  }
0x45: {  	_ =	shalt  }
0x46: {  	_ =	shalt  }
0x47: {  	_ =	shalt  }
0x48: {  	_ =	shalt  }
0x49: {  	_ =	shalt  }
0x4a: {  	_ =	shalt  }
0x4b: {  	_ =	shalt  }
0x4c: {  	_ =	shalt  }
0x4d: {  	_ =	shalt  }
0x4e: {  	_ =	shalt  }
0x4f: {  	_ =	shalt  }
0x50: {  	_ =	shalt  }
0x51: {  	_ =	shalt  }
0x52: {  	_ =	shalt  }
0x53: {  	_ =	shalt  }
0x54: {  	_ =	shalt  }
0x55: {  	_ =	shalt  }
0x56: {  	_ =	shalt  }
0x57: {  	_ =	shalt  }
0x58: {  	_ =	shalt  }
0x59: {  	_ =	shalt  }
0x5a: {  	_ =	shalt  }
0x5b: {  	_ =	shalt  }
0x5c: {  	_ =	shalt  }
0x5d: {  	_ =	shalt  }
0x5e: {  	_ =	shalt  }
0x5f: {  	_ =	shalt  }
0x60: {  	_ =	shalt  }
0x61: {  	_ =	shalt  }
0x62: {  	_ =	shalt  }
0x63: {  	_ =	shalt  }
0x64: {  	_ =	shalt  }
0x65: {  	_ =	shalt  }
0x66: {  	_ =	shalt  }
0x67: {  	_ =	shalt  }
0x68: {  	_ =	shalt  }
0x69: {  	_ =	shalt  }
0x6a: {  	_ =	shalt  }
0x6b: {  	_ =	shalt  }
0x6c: {  	_ =	shalt  }
0x6d: {  	_ =	shalt  }
0x6e: {  	_ =	shalt  }
0x6f: {  	_ =	shalt  }
0x70: {  	_ =	shalt  }
0x71: {  	_ =	shalt  }
0x72: {  	_ =	shalt  }
0x73: {  	_ =	shalt  }
0x74: {  	_ =	shalt  }
0x75: {  	_ =	shalt  }
0x76: {  	_ =	shalt  }
0x77: {  	_ =	shalt  }
0x78: {  	_ =	shalt  }
0x79: {  	_ =	shalt  }
0x7a: {  	_ =	shalt  }
0x7b: {  	_ =	shalt  }
0x7c: {  	_ =	shalt  }
0x7d: {  	_ =	shalt  }
0x7e: {  	_ =	shalt  }
0x7f: {  	_ =	shalt  }
0x80: {  	_ =	shalt  }
0x81: {  	_ =	shalt  }
0x82: {  	_ =	shalt  }
0x83: {  	_ =	shalt  }
0x84: {  	_ =	shalt  }
0x85: {  	_ =	shalt  }
0x86: {  	_ =	shalt  }
0x87: {  	_ =	shalt  }
.Lfunc_end0:
.L_simem_size_0:
called_computation_lowered:
.L_overlay_start_0:
0x88: {  	s2 =	sld [smem:$0x3FD9]  }
0x89: {  	s3 =	sld [smem:$0x3FFE];
	_ =	sdelay $0x1  }
0x8a: {  	s1 =	srdreg.scid  }
0x8b: {  	s0 =	sand.u32 $0x1, s1  }
0x8c: {  	s15 =	sshll.u32 s0, $0xA;
	s2 =	sadd.s32 s3, s2  }
0x8d: {  	s2 =	sadd.s32 s2, s15  }
0x8e: {  	[smem:$0x3FC6] =	sst s2  }
0x8f: {  	_ = 	snop  }
0x90: {  	s2 =	sld [smem:$0x3FD0];
	_ =	sdelay $0x1  }
0x91: {  	s16 =	sld [smem:$0x3FC9]  }
0x92: {  	s5 =	simm.s32 $0xA;
	s6 =	simm.s32 $0x10;
	s4 =	sld [smem:$0x3FC8]  }
0x93: {  	[smem:s6], [sflag:s5] =	dma.local [hbm:s2], $0x1  }
0x94: {  	_ =	swait.eq [sflag:s5], $0x1  }
0x95: {  	[sflag:s5] =	ssyncset.done $0x0  }
0x96: {  	s17 =	sld [smem:$0x12];
	[sflag:s5] =	ssyncadd.s32 $0xFFFFFFFF  }
0x97: {  	s18 =	sld [smem:$0x13];
	(tm) =	ssettm $0x1  }
0x98: {  	s19 =	sld [smem:$0x3FFB];
	_ =	sdelay $0x3  }
0x99: {  	_ =	strace s19  }
0x9a: {  	s6 =	sld [smem:$0x3FFC];
	_ =	sdelay $0x3  }
0x9b: {  	_ =	strace s6  }
0x9c: {  	s6 =	sld [smem:$0x3FFD];
	_ =	sdelay $0x3  }
0x9d: {  	_ =	strace s6  }
0x9e: {  	_ =	strace $0x8FFFFFFF  }
0x9f: {  	s20 =	sld [smem:$0x3FDB];
	_ =	sdelay $0x1  }
0xa0: {  	s7 =	simm.s32 $_scs_section_size  }
0xa1: {  	s8 =	simm.s32 $_size__tile_overlayer_lowered;
	s9 =	simm.s32 $_tile_overlayer_lowered  }
0xa2: {  	s23 =	simm.s32 $0x1BFF;
	s22 =	sshll.u32 s9, $0x1;
	s6 =	sadd.s32 s7, s20  }
0xa3: {  	s10 =	simm.s32 $0x0;
	s21 =	sshll.u32 s8, $0x1;
	s8 =	sadd.s32 s22, s6  }
0xa4: {  	[timem:s10], [sflag:s23] =	dma.local [hbm:s8], s21  }
0xa5: {  	_ =	swait.ge [sflag:s23], s21  }
0xa6: {  	s7 =	ssub.s32 $0x0, s21;
	[sflag:s23] =	ssyncset.done $0x0  }
0xa7: {  	[sflag:s23] =	ssyncadd.s32 s7;
	_ =	sdelay $0x1  }
0xa8: {  	s24 =	simm.s32 $0x1B8B  }
0xa9: {  	_ =	swait.ge [sflag:s24], $0x1  }
0xaa: {  	[sflag:s24] =	ssyncset.done $0x0  }
0xab: {  	s25 =	simm.s32 $0x1B8E;
	[sflag:s24] =	ssyncadd.s32 $0xFFFFFFFF  }
0xac: {  	s26 =	simm.s32 $execute0_lowered;
	[smem:$0x3FD2] =	sst s25  }
0xad: {  	s7 =	sshll.u32 s26, $0x1;
	_ =	strace $0x80000046;
	[dreg:$0x1] =	wrdreg $0xFFFFFFFF  }
0xae: {  	s28 =	simm.s32 $_size_execute0_lowered;
	s6 =	sadd.s32 s6, s7;
	[dreg:$0x0] =	wrdreg $0x0  }
0xaf: {  	s7 =	sshll.u32 s28, $0x1;
	[dreg:$0x2] =	wrdreg s6  }
0xb0: {  	[dreg:$0x3] =	wrdreg s7  }
0xb1: {  	[dreg:$0x4] =	wrdreg $0xC0  }
0xb2: {  	_ =	task [dreg:s10], $0x5FFFF  }
0xb3: {  	[dreg:$0x1] =	wrdreg $0xFFFFFFFF  }
0xb4: {  	[dreg:$0x0] =	wrdreg $0x60  }
0xb5: {  	[dreg:$0x2] =	wrdreg s16  }
0xb6: {  	[dreg:$0x3] =	wrdreg s4  }
0xb7: {  	[dreg:$0x4] =	wrdreg s17  }
0xb8: {  	[dreg:$0x5] =	wrdreg s18  }
0xb9: {  	[dreg:$0x6] =	wrdreg $0x9  }
0xba: {  	_ =	task.clear_ibuf [dreg:s10], $0x7FFFF;
	_ =	strace $0x90000046  }
0xbb: {  	s29 =	simm.s32 $0x9;
	_ =	strace $0x80000048  }
0xbc: {  	_ =	swait.ge [sflag:s29], $0x1  }
0xbd: {  	[sflag:s29] =	ssyncadd.s32 $0xFFFFFFFF  }
0xbe: {  	_ =	strace $0x90000048  }
0xbf: {  	_ =	sfence  }
0xc0: {  	s30 =	sld [smem:$0x0];
	_ =	sdelay $0x2  }
0xc1: {  	s31 =	sshll.u32 s1, $0xD;
	s1 =	sshrl.u32 s1, $0x2  }
0xc2: {  	s3 =	sand.u32 $0x4000, s31;
	s1 =	sadd.s32 s1, s30  }
0xc3: {  	s0 =	sor.u32 s3, s0;
	s1 =	sshll.u32 s1, $0x11  }
0xc4: {  	s0 =	sor.u32 s1, s0  }
0xc5: {  	s0 =	sadd.s32 $0x8F2B, s0  }
0xc6: {  	[sflag:s0] =	ssyncadd.remote.s32 $0x1  }
0xc7: {  	_ =	sfence.sel $0xFFFF  }
0xc8: {  	[dreg:$0x0] =	wrdreg $0xFFFFFFFF;
	(pc) =	sbr.abs _section_cstart, $3  }
0xc9: {  	[dreg:$0x1] =	wrdreg $0xFFFFFFFF  }
0xca: {  	_ =	task.clear_ibuf [dreg:s10], $0x2FFFF;
	_ =	strace $0x9FFFFFFF  }
0xcb: {  	(tm) =	ssettm $0x7FFFFFFF  }
tec
execute0_lowered:
.L_overlay_start_1:
0x0: {  	(tag) =	ssettag $0x1  }
0x1: {  	s23 =	rddreg [dreg:$0x0]  }
0x2: {  	s25 =	rddreg [dreg:$0x1]  }
0x3: {  	s1 =	srdreg.scid;
	s0 =	stileid.u32  }
0x4: {  	s22 =	rddreg [dreg:$0x2];
	s26 =	sand.u32 $0x1, s1;
	s30 =	sshll.u32 s0, $0x1  }
0x5: {  	s24 =	rddreg [dreg:$0x3];
	s2 =	simm.s32 $0x0;
	s9 =	sor.u32 s26, s30  }
0x6: {  	s7 =	simm.s32 $0x1;
	[smem:$0x7FF] =	sst s2;
	s6 =	smul.u32 $0x5000, s9  }
0x7: {  	s1 =	rddreg [dreg:$0x4];
	s8 =	sshll.u32 s0, $0x6;
	_ =	strace $0x80000047  }
0x8: {  	s4 =	sor.u32 $0x1C01, s8;
	s8 =	sor.u32 $0x1C02, s8;
	s2 =	sadd.s32 s22, s6  }
0x9: {  	s3 =	sadd.s32 s23, s6;
	s5 =	sadd.s32 s24, s6;
	s6 =	sadd.s32 s25, s6  }
0xa: {  	[hbm:s2], [sflag:s4] =	dma.local [hbm:s3], $0x1000  }
0xb: {  	[hbm:s5], [sflag:s8] =	dma.local [hbm:s6], $0x1000  }
0xc: {  	s9 =	smul.u32 $0x28000, s9;
	_ =	swait.ge [sflag:s7], $0x1000  }
0xd: {  	[sflag:s7] =	ssyncset.done $0x0  }
0xe: {  	s28 =	sshrl.u32 s9, $0x3;
	s9 =	simm.s32 $0x2;
	[sflag:s7] =	ssyncadd.s32 $0xFFFFF000  }
0xf: {  	s13 =	sadd.s32 $0x1000, s28;
	_ =	swait.ge [sflag:s9], $0x1000  }
0x10: {  	s10 =	sadd.s32 s22, s13;
	s11 =	sadd.s32 s23, s13;
	[sflag:s9] =	ssyncset.done $0x0  }
0x11: {  	s12 =	sadd.s32 s24, s13;
	s13 =	sadd.s32 s25, s13;
	[sflag:s9] =	ssyncadd.s32 $0xFFFFF000  }
0x12: {  	[hbm:s10], [sflag:s4] =	dma.local [hbm:s11], $0x1000  }
0x13: {  	[hbm:s12], [sflag:s8] =	dma.local [hbm:s13], $0x1000  }
0x14: {  	_ =	swait.ge [sflag:s7], $0x1000  }
0x15: {  	[sflag:s7] =	ssyncset.done $0x0  }
0x16: {  	[sflag:s7] =	ssyncadd.s32 $0xFFFFF000  }
0x17: {  	s17 =	sadd.s32 $0x2000, s28;
	_ =	swait.ge [sflag:s9], $0x1000  }
0x18: {  	s14 =	sadd.s32 s22, s17;
	s15 =	sadd.s32 s23, s17;
	[sflag:s9] =	ssyncset.done $0x0  }
0x19: {  	s16 =	sadd.s32 s24, s17;
	s17 =	sadd.s32 s25, s17;
	[sflag:s9] =	ssyncadd.s32 $0xFFFFF000  }
0x1a: {  	[hbm:s14], [sflag:s4] =	dma.local [hbm:s15], $0x1000  }
0x1b: {  	[hbm:s16], [sflag:s8] =	dma.local [hbm:s17], $0x1000  }
0x1c: {  	_ =	swait.ge [sflag:s7], $0x1000  }
0x1d: {  	[sflag:s7] =	ssyncset.done $0x0  }
0x1e: {  	[sflag:s7] =	ssyncadd.s32 $0xFFFFF000  }
0x1f: {  	s26 =	ssub.s32 $0x2, s26;
	s21 =	sadd.s32 $0x3000, s28;
	_ =	swait.ge [sflag:s9], $0x1000  }
0x20: {  	s18 =	sadd.s32 s22, s21;
	s19 =	sadd.s32 s23, s21;
	[sflag:s9] =	ssyncset.done $0x0  }
0x21: {  	s20 =	sadd.s32 s24, s21;
	s21 =	sadd.s32 s25, s21;
	[sflag:s9] =	ssyncadd.s32 $0xFFFFF000  }
0x22: {  	[hbm:s18], [sflag:s4] =	dma.local [hbm:s19], $0x1000  }
0x23: {  	[hbm:s20], [sflag:s8] =	dma.local [hbm:s21], $0x1000  }
0x24: {  	s31 =	sshrl.u32 s26, $0x1;
	_ =	swait.ge [sflag:s7], $0x1000  }
0x25: {  	s26 =	ssub.s32 s26, s31;
	[sflag:s7] =	ssyncset.done $0x0  }
0x26: {  	s26 =	smax.u32 s26, $0x1;
	[sflag:s7] =	ssyncadd.s32 $0xFFFFF000  }
0x27: {  	s28 =	sadd.s32 $0x4000, s28;
	p0 =	sne.s32 s26, $0x1;
	_ =	swait.ge [sflag:s9], $0x1000  }
0x28: {  	s22 =	sadd.s32 s22, s28;
	s23 =	sadd.s32 s23, s28;
	[sflag:s9] =	ssyncset.done $0x0  }
0x29: {  	s24 =	sadd.s32 s24, s28;
	s25 =	sadd.s32 s25, s28;
	[sflag:s9] =	ssyncadd.s32 $0xFFFFF000  }
0x2a: {  	[hbm:s22], [sflag:s4] =	dma.local [hbm:s23], $0x1000  }
0x2b: {  	[hbm:s24], [sflag:s8] =	dma.local [hbm:s25], $0x1000  }
.Ltmp0:
0x2c: {  	_ =	swait.ge [sflag:s7], $0x1000;
	(pc) =	sbr.rel @!p0 .LBB2_2-.Ltmp0, $4  }
0x2d: {  	[sflag:s7] =	ssyncset.done $0x0  }
0x2e: {  	[sflag:s7] =	ssyncadd.s32 $0xFFFFF000  }
0x2f: {  	_ =	swait.ge [sflag:s9], $0x1000  }
0x30: {  	s26 =	sadd.s32 $0xFFFFFFFF, s26;
	[sflag:s9] =	ssyncset.done $0x0  }
.LBB2_1:
0x31: {  	p0 =	sne.s32 s26, $0x1;
	[sflag:s9] =	ssyncadd.s32 $0xFFFFF000  }
0x32: {  	[hbm:s2], [sflag:s4] =	dma.local [hbm:s3], $0x1000  }
0x33: {  	[hbm:s5], [sflag:s8] =	dma.local [hbm:s6], $0x1000  }
0x34: {  	s26 =	sadd.s32 $0xFFFFFFFF, s26;
	_ =	swait.ge [sflag:s7], $0x1000  }
0x35: {  	[sflag:s7] =	ssyncset.done $0x0  }
0x36: {  	[sflag:s7] =	ssyncadd.s32 $0xFFFFF000  }
0x37: {  	_ =	swait.ge [sflag:s9], $0x1000  }
0x38: {  	[sflag:s9] =	ssyncset.done $0x0  }
0x39: {  	[sflag:s9] =	ssyncadd.s32 $0xFFFFF000  }
0x3a: {  	[hbm:s10], [sflag:s4] =	dma.local [hbm:s11], $0x1000  }
0x3b: {  	[hbm:s12], [sflag:s8] =	dma.local [hbm:s13], $0x1000  }
0x3c: {  	_ =	swait.ge [sflag:s7], $0x1000  }
0x3d: {  	[sflag:s7] =	ssyncset.done $0x0  }
0x3e: {  	[sflag:s7] =	ssyncadd.s32 $0xFFFFF000  }
0x3f: {  	_ =	swait.ge [sflag:s9], $0x1000  }
0x40: {  	[sflag:s9] =	ssyncset.done $0x0  }
0x41: {  	[sflag:s9] =	ssyncadd.s32 $0xFFFFF000  }
0x42: {  	[hbm:s14], [sflag:s4] =	dma.local [hbm:s15], $0x1000  }
0x43: {  	[hbm:s16], [sflag:s8] =	dma.local [hbm:s17], $0x1000  }
0x44: {  	_ =	swait.ge [sflag:s7], $0x1000  }
0x45: {  	[sflag:s7] =	ssyncset.done $0x0  }
0x46: {  	[sflag:s7] =	ssyncadd.s32 $0xFFFFF000  }
0x47: {  	_ =	swait.ge [sflag:s9], $0x1000  }
0x48: {  	[sflag:s9] =	ssyncset.done $0x0  }
0x49: {  	[sflag:s9] =	ssyncadd.s32 $0xFFFFF000  }
0x4a: {  	[hbm:s18], [sflag:s4] =	dma.local [hbm:s19], $0x1000  }
0x4b: {  	[hbm:s20], [sflag:s8] =	dma.local [hbm:s21], $0x1000  }
0x4c: {  	_ =	swait.ge [sflag:s7], $0x1000  }
0x4d: {  	[sflag:s7] =	ssyncset.done $0x0  }
0x4e: {  	[sflag:s7] =	ssyncadd.s32 $0xFFFFF000  }
0x4f: {  	_ =	swait.ge [sflag:s9], $0x1000  }
0x50: {  	[sflag:s9] =	ssyncset.done $0x0  }
0x51: {  	[sflag:s9] =	ssyncadd.s32 $0xFFFFF000  }
0x52: {  	[hbm:s22], [sflag:s4] =	dma.local [hbm:s23], $0x1000  }
0x53: {  	[hbm:s24], [sflag:s8] =	dma.local [hbm:s25], $0x1000  }
.Ltmp1:
0x54: {  	_ =	swait.ge [sflag:s7], $0x1000;
	(pc) =	sbr.rel @p0 .LBB2_1-.Ltmp1, $4  }
0x55: {  	[sflag:s7] =	ssyncset.done $0x0  }
0x56: {  	[sflag:s7] =	ssyncadd.s32 $0xFFFFF000  }
0x57: {  	_ =	swait.ge [sflag:s9], $0x1000  }
0x58: {  	[sflag:s9] =	ssyncset.done $0x0  }
.LBB2_2:
0x59: {  	[sflag:s9] =	ssyncadd.s32 $0xFFFFF000  }
0x5a: {  	_ =	sfence.sel $0x180000  }
0x5b: {  	[bflag:$0x0] =	sbarrier.arrive $0xFFFF  }
0x5c: {  	p0 =	sne.s32 s0, $0x0;
	_ =	strace $0x90000047  }
0x5d: {  	s0 =	sadd.s32 @!p0 $0x100000, s1;
	[bflag:$0x2] =	sbarrier.arrive $0xFFFF  }
0x5e: {  	[sflag:s0] =	ssyncadd.tile.s32 @!p0 $0x1;
	_ =	shalt  }
.Lfunc_end2:
_tile_overlayer_lowered:
.L_overlay_start_2:
0x5f: {  	(tag) =	ssettag $0x2  }
0x60: {  	s0 =	rddreg [dreg:$0x0];
	s2 =	stileid.u32  }
0x61: {  	s1 =	rddreg [dreg:$0x1];
	p0 =	sne.s32 s2, $0x0  }
0x62: {  	s3 =	rddreg [dreg:$0x2];
	[bflag:$0x3] =	sbarrier.arrive $0xFFFF;
	s2 =	simm.s32 @!p0 $0x1C03  }
0x63: {  	[timem:s3], [sflag:s2] =	dma.local @!p0 [hbm:s0], s1  }
0x64: {  	s0 =	simm.s32 @!p0 $0x3  }
0x65: {  	_ =	swait.ge @!p0 [sflag:s0], s1  }
0x66: {  	s1 =	ssub.s32 @!p0 $0x0, s1;
	[sflag:s0] =	ssyncset.done @!p0 $0x0  }
0x67: {  	[sflag:s0] =	ssyncadd.s32 @!p0 s1  }
0x68: {  	[bflag:$0x3] =	sbarrier.arrive $0xFFFF  }
0x69: {  	_ =	shalt  }

</sc_bundles>
